<compile_context>
chip_gen: v7x
topology: tpu7x:2x2x1
jax: 0.10.2.dev20260603
libtpu: 0.0.44.dev20260713+nightly
codegen_flags: <defaults>
</compile_context>

<pallas_src>
import functools

import jax
import jax.numpy as jnp
from jax import lax
from jax.experimental import pallas as pl
from jax.experimental.pallas import tpu as pltpu
from jax.experimental.pallas import tpu_sc as plsc

N = 10000
E = 320000
D_IN = 128
D_HID = 16
D_OUT = 10

NC = 2
NS = 16
NW = NC * NS
CHUNK = 128
CH = 80
EPAD = NW * CH * CHUNK
TBL = 10240
SL = TBL // NS

_MESH = plsc.VectorSubcoreMesh(
    core_axis_name="c", subcore_axis_name="s", num_cores=NC, num_subcores=NS
)



def _mm1_body(x_ref, w_ref, o_ref):
    o_ref[...] = jnp.dot(x_ref[...], w_ref[...],
                         preferred_element_type=jnp.float32)


def _mid_body(p_ref, b_ref, w_ref, o_ref):
    h = jnp.maximum(p_ref[0] + p_ref[1] + b_ref[...], 0.0)
    o_ref[...] = jnp.dot(h, w_ref[...], preferred_element_type=jnp.float32)


def _fin_body(p_ref, b_ref, o_ref):
    o_ref[...] = p_ref[0, :N, :D_OUT] + p_ref[1, :N, :D_OUT] + b_ref[...]



@functools.partial(
    pl.kernel,
    out_type=jax.ShapeDtypeStruct((NC, TBL, D_HID), jnp.float32),
    mesh=_MESH,
    compiler_params=pltpu.CompilerParams(use_tc_tiling_on_sc=False),
    scratch_types=[
        pltpu.VMEM((CH, CHUNK), jnp.int32),
        pltpu.VMEM((CH, CHUNK), jnp.int32),
        pltpu.VMEM((CHUNK, D_HID), jnp.float32),
        pltpu.VMEM((CHUNK, D_HID), jnp.float32),
        pltpu.VMEM((64, D_HID), jnp.float32),
        pltpu.VMEM_SHARED((TBL, D_HID), jnp.float32),
        pltpu.SemaphoreType.DMA,
        pltpu.SemaphoreType.DMA,
        pltpu.SemaphoreType.DMA,
    ],
)
def _edge_agg(table_h, src_h, dst_h, out_h, src_v, dst_v, rows0, rows1, zb,
              acc, sem0, sem1, semi):
    cid = lax.axis_index("c")
    sid = lax.axis_index("s")
    wid = cid * NS + sid

    d_src = pltpu.async_copy(src_h.at[wid], src_v, semi)
    d_dst = pltpu.async_copy(dst_h.at[wid], dst_v, semi)

    def zrow(i, carry):
        zb[i] = jnp.zeros((D_HID,), jnp.float32)
        return carry

    lax.fori_loop(0, 64, zrow, 0)

    def zcopy(t, carry):
        pltpu.sync_copy(zb, acc.at[pl.ds(sid * SL + t * 64, 64)])
        return carry

    lax.fori_loop(0, SL // 64, zcopy, 0)
    d_src.wait()
    d_dst.wait()
    plsc.subcore_barrier()

    pltpu.async_copy(table_h.at[src_v.at[0]], rows0, sem0)

    def pair(g, carry):
        j0 = 2 * g
        j1 = j0 + 1
        pltpu.async_copy(table_h.at[src_v.at[j1]], rows1, sem1)
        pltpu.make_async_copy(table_h.at[src_v.at[j0]], rows0, sem0).wait()
        pltpu.sync_copy(rows0, acc.at[dst_v.at[j0]], add=True)
        pltpu.async_copy(table_h.at[src_v.at[j0 + 2]], rows0, sem0)
        pltpu.make_async_copy(table_h.at[src_v.at[j1]], rows1, sem1).wait()
        pltpu.sync_copy(rows1, acc.at[dst_v.at[j1]], add=True)
        return carry

    lax.fori_loop(0, CH // 2 - 1, pair, 0)
    jl0 = CH - 2
    jl1 = CH - 1
    pltpu.async_copy(table_h.at[src_v.at[jl1]], rows1, sem1)
    pltpu.make_async_copy(table_h.at[src_v.at[jl0]], rows0, sem0).wait()
    pltpu.sync_copy(rows0, acc.at[dst_v.at[jl0]], add=True)
    pltpu.make_async_copy(table_h.at[src_v.at[jl1]], rows1, sem1).wait()
    pltpu.sync_copy(rows1, acc.at[dst_v.at[jl1]], add=True)
    plsc.subcore_barrier()
    pltpu.sync_copy(acc.at[pl.ds(sid * SL, SL)],
                    out_h.at[cid, pl.ds(sid * SL, SL)])



def kernel(x, edge_index, W1, b1, W2, b2):
    src = edge_index[0]
    dst = edge_index[1]
    pad = EPAD - E
    srcp = jnp.concatenate(
        [src, jnp.zeros((pad,), jnp.int32)]).reshape(NW, CH, CHUNK)
    dstp = jnp.concatenate(
        [dst, jnp.full((pad,), N, jnp.int32)]).reshape(NW, CH, CHUNK)

    xw = pl.pallas_call(
        _mm1_body,
        out_shape=jax.ShapeDtypeStruct((N, D_HID), jnp.float32),
    )(x, W1)

    p1 = _edge_agg(xw, srcp, dstp)

    w2p = jnp.pad(W2, ((0, 0), (0, D_HID - D_OUT)))
    hw = pl.pallas_call(
        _mid_body,
        out_shape=jax.ShapeDtypeStruct((TBL, D_HID), jnp.float32),
    )(p1, b1.reshape(1, D_HID), w2p)

    p2 = _edge_agg(hw, srcp, dstp)

    out = pl.pallas_call(
        _fin_body,
        out_shape=jax.ShapeDtypeStruct((N, D_OUT), jnp.float32),
    )(p2, b2.reshape(1, D_OUT))
    return out

# --- scband reference (transcript-rebuilt; emitter-appended) ---
"""Pipeline reference for scband-net-40123584479271 (READ-ONLY COPY).

The authoritative reference and input builder live on the scoring server;
editing this copy changes nothing except your own understanding.
"""

import jax, jax.numpy as jnp
import numpy as np

N = 10000
E = 320000
D_IN = 128
D_HID = 16
D_OUT = 10


def setup_inputs(seed: int = 0) -> dict:
    key = jax.random.key(seed)
    k1, k2, k3, k4, k5, k6 = jax.random.split(key, 6)
    x = jax.random.normal(k1, (N, D_IN), dtype=jnp.float32)
    edge_index = jax.random.randint(k2, (2, E), 0, N, dtype=jnp.int32)
    W1 = jax.random.normal(k3, (D_IN, D_HID), dtype=jnp.float32) * (1.0 / np.sqrt(D_IN))
    b1 = jnp.zeros((D_HID,), dtype=jnp.float32)
    W2 = jax.random.normal(k4, (D_HID, D_OUT), dtype=jnp.float32) * (1.0 / np.sqrt(D_HID))
    b2 = jnp.zeros((D_OUT,), dtype=jnp.float32)
    return {"x": x, "edge_index": edge_index, "W1": W1, "b1": b1, "W2": W2, "b2": b2}


def reference(x, edge_index, W1, b1, W2, b2):
    # GCNConv(normalize=False): out[i] = sum_{j -> i} (x_j @ W) + bias
    # (no gcn_norm -> no self-loops, unit edge weights)
    src = edge_index[0]
    dst = edge_index[1]
    # layer 1
    xw = x @ W1
    msg = jnp.take(xw, src, axis=0)
    agg = jax.ops.segment_sum(msg, dst, num_segments=N)
    h = jax.nn.relu(agg + b1)
    # dropout is identity in eval mode
    # layer 2
    hw = h @ W2
    msg2 = jnp.take(hw, src, axis=0)
    agg2 = jax.ops.segment_sum(msg2, dst, num_segments=N)
    out = agg2 + b2
    return out

if __name__ == "__main__":
    import jax
    _d = setup_inputs()
    print(jax.jit(kernel)(*tuple(_d.values())))

</pallas_src>

<mosaic_0001>
#map = affine_map<(d0, d1) -> (0, 0)>
#map1 = affine_map<(d0, d1) -> (0, 0, 0)>
module attributes {stable_mosaic.version = 14 : i64} {
  func.func @_edge_agg(%arg0: i32, %arg1: i32, %arg2: memref<10000x16xf32, #tpu.memory_space<hbm>>, %arg3: memref<32x80x128xi32, #tpu.memory_space<hbm>>, %arg4: memref<32x80x128xi32, #tpu.memory_space<hbm>>, %arg5: memref<2x10240x16xf32, #tpu.memory_space<hbm>>, %arg6: memref<80x128xi32, #tpu.memory_space<vmem>>, %arg7: memref<80x128xi32, #tpu.memory_space<vmem>>, %arg8: memref<128x16xf32, #tpu.memory_space<vmem>>, %arg9: memref<128x16xf32, #tpu.memory_space<vmem>>, %arg10: memref<64x16xf32, #tpu.memory_space<vmem>>, %arg11: memref<10240x16xf32, #tpu.memory_space<vmem_shared>>, %arg12: memref<!tpu.dma_semaphore, #tpu.memory_space<semaphore_mem>>, %arg13: memref<!tpu.dma_semaphore, #tpu.memory_space<semaphore_mem>>, %arg14: memref<!tpu.dma_semaphore, #tpu.memory_space<semaphore_mem>>) attributes {dimension_semantics = [#tpu.dimension_semantics<core_parallel>, #tpu.dimension_semantics<subcore_parallel>], iteration_bounds = array<i64: 2, 16>, scalar_prefetch = 0 : i64, scratch_operands = 9 : i64, tpu.core_type = #tpu.core_type<sc_vector_subcore>, window_params = [{transform_indices = #map}, {transform_indices = #map1}, {transform_indices = #map1}, {transform_indices = #map1}]} {
    %mul3A = arith.constant 16 : i32
    %mul3A_0 = arith.muli %arg0, %mul3A : i32
    %add3A = arith.addi %mul3A_0, %arg1 : i32
    %dma_start3A = arith.constant 0 : i32
    %dma_start3A_1 = arith.constant 0 : i32
    %dma_start3A_2 = tpu.memref_slice %arg3[%add3A, %dma_start3A, %dma_start3A_1] : memref<32x80x128xi32, #tpu.memory_space<hbm>> -> memref<1x80x128xi32, #tpu.memory_space<hbm>>
    %dma_start3A_3 = tpu.memref_squeeze %dma_start3A_2 : memref<1x80x128xi32, #tpu.memory_space<hbm>> -> memref<80x128xi32, #tpu.memory_space<hbm>>
    %dma_start3A_4 = arith.constant 0 : i32
    %dma_start3A_5 = arith.constant 0 : i32
    %dma_start3A_6 = tpu.memref_slice %arg3[%add3A, %dma_start3A_4, %dma_start3A_5] : memref<32x80x128xi32, #tpu.memory_space<hbm>> -> memref<1x80x128xi32, #tpu.memory_space<hbm>>
    %dma_start3A_7 = tpu.memref_squeeze %dma_start3A_6 : memref<1x80x128xi32, #tpu.memory_space<hbm>> -> memref<80x128xi32, #tpu.memory_space<hbm>>
    tpu.enqueue_dma source(%dma_start3A_7 : memref<80x128xi32, #tpu.memory_space<hbm>>) target(%arg6 : memref<80x128xi32, #tpu.memory_space<vmem>>) target_semaphore(%arg14 : memref<!tpu.dma_semaphore, #tpu.memory_space<semaphore_mem>>)
    %dma_start3A_8 = arith.constant 0 : i32
    %dma_start3A_9 = arith.constant 0 : i32
    %dma_start3A_10 = tpu.memref_slice %arg4[%add3A, %dma_start3A_8, %dma_start3A_9] : memref<32x80x128xi32, #tpu.memory_space<hbm>> -> memref<1x80x128xi32, #tpu.memory_space<hbm>>
    %dma_start3A_11 = tpu.memref_squeeze %dma_start3A_10 : memref<1x80x128xi32, #tpu.memory_space<hbm>> -> memref<80x128xi32, #tpu.memory_space<hbm>>
    %dma_start3A_12 = arith.constant 0 : i32
    %dma_start3A_13 = arith.constant 0 : i32
    %dma_start3A_14 = tpu.memref_slice %arg4[%add3A, %dma_start3A_12, %dma_start3A_13] : memref<32x80x128xi32, #tpu.memory_space<hbm>> -> memref<1x80x128xi32, #tpu.memory_space<hbm>>
    %dma_start3A_15 = tpu.memref_squeeze %dma_start3A_14 : memref<1x80x128xi32, #tpu.memory_space<hbm>> -> memref<80x128xi32, #tpu.memory_space<hbm>>
    tpu.enqueue_dma source(%dma_start3A_15 : memref<80x128xi32, #tpu.memory_space<hbm>>) target(%arg7 : memref<80x128xi32, #tpu.memory_space<vmem>>) target_semaphore(%arg14 : memref<!tpu.dma_semaphore, #tpu.memory_space<semaphore_mem>>)
    %scan3A = arith.constant 0 : i32
    %scan3A_16 = arith.constant 0 : i32
    %scan3A_17 = arith.constant 64 : i32
    %scan3A_18 = arith.addi %scan3A_16, %scan3A_17 : i32
    %scan3A_19 = arith.constant 1 : i32
    scf.for %scan3A_82 = %scan3A_16 to %scan3A_18 step %scan3A_19  : i32 {
      %broadcast_in_dim3A = arith.constant 0.000000e+00 : f32
      %broadcast_in_dim3A_83 = vector.broadcast %broadcast_in_dim3A : f32 to vector<16xf32>
      %swap3A = arith.index_cast %scan3A_82 : i32 to index
      %swap3A_84 = arith.constant 0 : index
      %swap3A_85 = tpu.vector_load %arg10[%swap3A, %swap3A_84] {strides = array<i32>} : memref<64x16xf32, #tpu.memory_space<vmem>>, vector<1x16xf32>,
      %swap3A_86 = vector.shape_cast %swap3A_85 : vector<1x16xf32> to vector<16xf32>
      %swap3A_87 = vector.shape_cast %broadcast_in_dim3A_83 : vector<16xf32> to vector<1x16xf32>
      tpu.vector_store %arg10[%swap3A, %swap3A_84], %swap3A_87 {strides = array<i32>} : memref<64x16xf32, #tpu.memory_space<vmem>>, vector<1x16xf32>,
    }
    %scan3A_20 = arith.constant 64 : i32
    %scan3A_21 = arith.constant 0 : i32
    %scan3A_22 = arith.constant 0 : i32
    %scan3A_23 = arith.constant 10 : i32
    %scan3A_24 = arith.addi %scan3A_22, %scan3A_23 : i32
    %scan3A_25 = arith.constant 1 : i32
    scf.for %scan3A_82 = %scan3A_22 to %scan3A_24 step %scan3A_25  : i32 {
      %mul3A_83 = arith.constant 640 : i32
      %mul3A_84 = arith.muli %arg1, %mul3A_83 : i32
      %mul3A_85 = arith.constant 64 : i32
      %mul3A_86 = arith.muli %scan3A_82, %mul3A_85 : i32
      %add3A_87 = arith.addi %mul3A_84, %mul3A_86 : i32
      "tpu.region"() ({
        %run_scoped3A_88 = tpu.sem_alloc : memref<!tpu.dma_semaphore, #tpu.memory_space<semaphore_mem>>
        %dma_start3A_89 = arith.constant 0 : i32
        %dma_start3A_90 = tpu.memref_slice %arg11[%add3A_87, %dma_start3A_89] : memref<10240x16xf32, #tpu.memory_space<vmem_shared>> -> memref<64x16xf32, #tpu.memory_space<vmem_shared>>
        %dma_start3A_91 = arith.constant 0 : i32
        %dma_start3A_92 = tpu.memref_slice %arg11[%add3A_87, %dma_start3A_91] : memref<10240x16xf32, #tpu.memory_space<vmem_shared>> -> memref<64x16xf32, #tpu.memory_space<vmem_shared>>
        tpu.enqueue_dma source(%arg10 : memref<64x16xf32, #tpu.memory_space<vmem>>) target(%dma_start3A_92 : memref<64x16xf32, #tpu.memory_space<vmem_shared>>) target_semaphore(%run_scoped3A_88 : memref<!tpu.dma_semaphore, #tpu.memory_space<semaphore_mem>>)
        %dma_wait3A_93 = arith.constant 0 : i32
        %dma_wait3A_94 = tpu.memref_slice %arg11[%add3A_87, %dma_wait3A_93] : memref<10240x16xf32, #tpu.memory_space<vmem_shared>> -> memref<64x16xf32, #tpu.memory_space<vmem_shared>>
        %dma_wait3A_95 = arith.constant 0 : i32
        %dma_wait3A_96 = tpu.memref_slice %arg11[%add3A_87, %dma_wait3A_95] : memref<10240x16xf32, #tpu.memory_space<vmem_shared>> -> memref<64x16xf32, #tpu.memory_space<vmem_shared>>
        tpu.wait_dma2 semaphore(%run_scoped3A_88 : memref<!tpu.dma_semaphore, #tpu.memory_space<semaphore_mem>>) src(%arg10 : memref<64x16xf32, #tpu.memory_space<vmem>>) dst(%dma_wait3A_96 : memref<64x16xf32, #tpu.memory_space<vmem_shared>>)
        tpu.yield
      }) : () -> ()
    }
    %scan3A_26 = arith.constant 10 : i32
    %dma_wait3A = arith.constant 0 : i32
    %dma_wait3A_27 = arith.constant 0 : i32
    %dma_wait3A_28 = tpu.memref_slice %arg3[%add3A, %dma_wait3A, %dma_wait3A_27] : memref<32x80x128xi32, #tpu.memory_space<hbm>> -> memref<1x80x128xi32, #tpu.memory_space<hbm>>
    %dma_wait3A_29 = tpu.memref_squeeze %dma_wait3A_28 : memref<1x80x128xi32, #tpu.memory_space<hbm>> -> memref<80x128xi32, #tpu.memory_space<hbm>>
    %dma_wait3A_30 = arith.constant 0 : i32
    %dma_wait3A_31 = arith.constant 0 : i32
    %dma_wait3A_32 = tpu.memref_slice %arg3[%add3A, %dma_wait3A_30, %dma_wait3A_31] : memref<32x80x128xi32, #tpu.memory_space<hbm>> -> memref<1x80x128xi32, #tpu.memory_space<hbm>>
    %dma_wait3A_33 = tpu.memref_squeeze %dma_wait3A_32 : memref<1x80x128xi32, #tpu.memory_space<hbm>> -> memref<80x128xi32, #tpu.memory_space<hbm>>
    tpu.wait_dma2 semaphore(%arg14 : memref<!tpu.dma_semaphore, #tpu.memory_space<semaphore_mem>>) src(%dma_wait3A_33 : memref<80x128xi32, #tpu.memory_space<hbm>>) dst(%arg6 : memref<80x128xi32, #tpu.memory_space<vmem>>)
    %dma_wait3A_34 = arith.constant 0 : i32
    %dma_wait3A_35 = arith.constant 0 : i32
    %dma_wait3A_36 = tpu.memref_slice %arg4[%add3A, %dma_wait3A_34, %dma_wait3A_35] : memref<32x80x128xi32, #tpu.memory_space<hbm>> -> memref<1x80x128xi32, #tpu.memory_space<hbm>>
    %dma_wait3A_37 = tpu.memref_squeeze %dma_wait3A_36 : memref<1x80x128xi32, #tpu.memory_space<hbm>> -> memref<80x128xi32, #tpu.memory_space<hbm>>
    %dma_wait3A_38 = arith.constant 0 : i32
    %dma_wait3A_39 = arith.constant 0 : i32
    %dma_wait3A_40 = tpu.memref_slice %arg4[%add3A, %dma_wait3A_38, %dma_wait3A_39] : memref<32x80x128xi32, #tpu.memory_space<hbm>> -> memref<1x80x128xi32, #tpu.memory_space<hbm>>
    %dma_wait3A_41 = tpu.memref_squeeze %dma_wait3A_40 : memref<1x80x128xi32, #tpu.memory_space<hbm>> -> memref<80x128xi32, #tpu.memory_space<hbm>>
    tpu.wait_dma2 semaphore(%arg14 : memref<!tpu.dma_semaphore, #tpu.memory_space<semaphore_mem>>) src(%dma_wait3A_41 : memref<80x128xi32, #tpu.memory_space<hbm>>) dst(%arg7 : memref<80x128xi32, #tpu.memory_space<vmem>>)
    %barrier3A = arith.constant 0 : index
    tpu.barrier barrier_id(%barrier3A)
    %dma_start3A_42 = arith.constant 0 : i32
    %dma_start3A_43 = arith.constant 0 : i32
    %dma_start3A_44 = tpu.memref_slice %arg6[%dma_start3A_42, %dma_start3A_43] : memref<80x128xi32, #tpu.memory_space<vmem>> -> memref<1x128xi32, #tpu.memory_space<vmem>>
    %dma_start3A_45 = tpu.memref_squeeze %dma_start3A_44 : memref<1x128xi32, #tpu.memory_space<vmem>> -> memref<128xi32, #tpu.memory_space<vmem>>
    %dma_start3A_46 = arith.constant 0 : i32
    %dma_start3A_47 = arith.constant 0 : i32
    %dma_start3A_48 = tpu.memref_slice %arg2[%dma_start3A_46, %dma_start3A_47] : memref<10000x16xf32, #tpu.memory_space<hbm>> -> memref<10000x16xf32, #tpu.memory_space<hbm>>
    tpu.enqueue_indirect_dma source(%dma_start3A_48 : memref<10000x16xf32, #tpu.memory_space<hbm>>) target(%arg8 : memref<128x16xf32, #tpu.memory_space<vmem>>) offsets(%dma_start3A_45 : memref<128xi32, #tpu.memory_space<vmem>>) semaphore(%arg12 : memref<!tpu.dma_semaphore, #tpu.memory_space<semaphore_mem>>)
    %scan3A_49 = arith.constant 0 : i32
    %scan3A_50 = arith.constant 0 : i32
    %scan3A_51 = arith.constant 39 : i32
    %scan3A_52 = arith.addi %scan3A_50, %scan3A_51 : i32
    %scan3A_53 = arith.constant 1 : i32
    scf.for %scan3A_82 = %scan3A_50 to %scan3A_52 step %scan3A_53  : i32 {
      %mul3A_83 = arith.constant 2 : i32
      %mul3A_84 = arith.muli %mul3A_83, %scan3A_82 : i32
      %add3A_85 = arith.constant 1 : i32
      %add3A_86 = arith.addi %mul3A_84, %add3A_85 : i32
      %dma_start3A_87 = arith.constant 0 : i32
      %dma_start3A_88 = tpu.memref_slice %arg6[%add3A_86, %dma_start3A_87] : memref<80x128xi32, #tpu.memory_space<vmem>> -> memref<1x128xi32, #tpu.memory_space<vmem>>
      %dma_start3A_89 = tpu.memref_squeeze %dma_start3A_88 : memref<1x128xi32, #tpu.memory_space<vmem>> -> memref<128xi32, #tpu.memory_space<vmem>>
      %dma_start3A_90 = arith.constant 0 : i32
      %dma_start3A_91 = arith.constant 0 : i32
      %dma_start3A_92 = tpu.memref_slice %arg2[%dma_start3A_90, %dma_start3A_91] : memref<10000x16xf32, #tpu.memory_space<hbm>> -> memref<10000x16xf32, #tpu.memory_space<hbm>>
      tpu.enqueue_indirect_dma source(%dma_start3A_92 : memref<10000x16xf32, #tpu.memory_space<hbm>>) target(%arg9 : memref<128x16xf32, #tpu.memory_space<vmem>>) offsets(%dma_start3A_89 : memref<128xi32, #tpu.memory_space<vmem>>) semaphore(%arg13 : memref<!tpu.dma_semaphore, #tpu.memory_space<semaphore_mem>>)
      %dma_wait3A_93 = arith.constant 0 : i32
      %dma_wait3A_94 = tpu.memref_slice %arg6[%mul3A_84, %dma_wait3A_93] : memref<80x128xi32, #tpu.memory_space<vmem>> -> memref<1x128xi32, #tpu.memory_space<vmem>>
      %dma_wait3A_95 = tpu.memref_squeeze %dma_wait3A_94 : memref<1x128xi32, #tpu.memory_space<vmem>> -> memref<128xi32, #tpu.memory_space<vmem>>
      %dma_wait3A_96 = arith.constant 0 : i32
      %dma_wait3A_97 = arith.constant 0 : i32
      %dma_wait3A_98 = tpu.memref_slice %arg2[%dma_wait3A_96, %dma_wait3A_97] : memref<10000x16xf32, #tpu.memory_space<hbm>> -> memref<10000x16xf32, #tpu.memory_space<hbm>>
      tpu.wait_indirect_dma semaphore(%arg12 : memref<!tpu.dma_semaphore, #tpu.memory_space<semaphore_mem>>) src(%dma_wait3A_98 : memref<10000x16xf32, #tpu.memory_space<hbm>>) dst(%arg8 : memref<128x16xf32, #tpu.memory_space<vmem>>)
      "tpu.region"() ({
        %run_scoped3A_113 = tpu.sem_alloc : memref<!tpu.dma_semaphore, #tpu.memory_space<semaphore_mem>>
        %dma_start3A_114 = arith.constant 0 : i32
        %dma_start3A_115 = tpu.memref_slice %arg7[%mul3A_84, %dma_start3A_114] : memref<80x128xi32, #tpu.memory_space<vmem>> -> memref<1x128xi32, #tpu.memory_space<vmem>>
        %dma_start3A_116 = tpu.memref_squeeze %dma_start3A_115 : memref<1x128xi32, #tpu.memory_space<vmem>> -> memref<128xi32, #tpu.memory_space<vmem>>
        %dma_start3A_117 = arith.constant 0 : i32
        %dma_start3A_118 = arith.constant 0 : i32
        %dma_start3A_119 = tpu.memref_slice %arg11[%dma_start3A_117, %dma_start3A_118] : memref<10240x16xf32, #tpu.memory_space<vmem_shared>> -> memref<10240x16xf32, #tpu.memory_space<vmem_shared>>
        tpu.enqueue_indirect_dma source(%arg8 : memref<128x16xf32, #tpu.memory_space<vmem>>) target(%dma_start3A_119 : memref<10240x16xf32, #tpu.memory_space<vmem_shared>>) offsets(%dma_start3A_116 : memref<128xi32, #tpu.memory_space<vmem>>) semaphore(%run_scoped3A_113 : memref<!tpu.dma_semaphore, #tpu.memory_space<semaphore_mem>>) {add = true}
        %dma_wait3A_120 = arith.constant 0 : i32
        %dma_wait3A_121 = tpu.memref_slice %arg7[%mul3A_84, %dma_wait3A_120] : memref<80x128xi32, #tpu.memory_space<vmem>> -> memref<1x128xi32, #tpu.memory_space<vmem>>
        %dma_wait3A_122 = tpu.memref_squeeze %dma_wait3A_121 : memref<1x128xi32, #tpu.memory_space<vmem>> -> memref<128xi32, #tpu.memory_space<vmem>>
        %dma_wait3A_123 = arith.constant 0 : i32
        %dma_wait3A_124 = arith.constant 0 : i32
        %dma_wait3A_125 = tpu.memref_slice %arg11[%dma_wait3A_123, %dma_wait3A_124] : memref<10240x16xf32, #tpu.memory_space<vmem_shared>> -> memref<10240x16xf32, #tpu.memory_space<vmem_shared>>
        tpu.wait_indirect_dma semaphore(%run_scoped3A_113 : memref<!tpu.dma_semaphore, #tpu.memory_space<semaphore_mem>>) src(%arg8 : memref<128x16xf32, #tpu.memory_space<vmem>>) dst(%dma_wait3A_125 : memref<10240x16xf32, #tpu.memory_space<vmem_shared>>)
        tpu.yield
      }) : () -> ()
      %add3A_99 = arith.constant 2 : i32
      %add3A_100 = arith.addi %mul3A_84, %add3A_99 : i32
      %dma_start3A_101 = arith.constant 0 : i32
      %dma_start3A_102 = tpu.memref_slice %arg6[%add3A_100, %dma_start3A_101] : memref<80x128xi32, #tpu.memory_space<vmem>> -> memref<1x128xi32, #tpu.memory_space<vmem>>
      %dma_start3A_103 = tpu.memref_squeeze %dma_start3A_102 : memref<1x128xi32, #tpu.memory_space<vmem>> -> memref<128xi32, #tpu.memory_space<vmem>>
      %dma_start3A_104 = arith.constant 0 : i32
      %dma_start3A_105 = arith.constant 0 : i32
      %dma_start3A_106 = tpu.memref_slice %arg2[%dma_start3A_104, %dma_start3A_105] : memref<10000x16xf32, #tpu.memory_space<hbm>> -> memref<10000x16xf32, #tpu.memory_space<hbm>>
      tpu.enqueue_indirect_dma source(%dma_start3A_106 : memref<10000x16xf32, #tpu.memory_space<hbm>>) target(%arg8 : memref<128x16xf32, #tpu.memory_space<vmem>>) offsets(%dma_start3A_103 : memref<128xi32, #tpu.memory_space<vmem>>) semaphore(%arg12 : memref<!tpu.dma_semaphore, #tpu.memory_space<semaphore_mem>>)
      %dma_wait3A_107 = arith.constant 0 : i32
      %dma_wait3A_108 = tpu.memref_slice %arg6[%add3A_86, %dma_wait3A_107] : memref<80x128xi32, #tpu.memory_space<vmem>> -> memref<1x128xi32, #tpu.memory_space<vmem>>
      %dma_wait3A_109 = tpu.memref_squeeze %dma_wait3A_108 : memref<1x128xi32, #tpu.memory_space<vmem>> -> memref<128xi32, #tpu.memory_space<vmem>>
      %dma_wait3A_110 = arith.constant 0 : i32
      %dma_wait3A_111 = arith.constant 0 : i32
      %dma_wait3A_112 = tpu.memref_slice %arg2[%dma_wait3A_110, %dma_wait3A_111] : memref<10000x16xf32, #tpu.memory_space<hbm>> -> memref<10000x16xf32, #tpu.memory_space<hbm>>
      tpu.wait_indirect_dma semaphore(%arg13 : memref<!tpu.dma_semaphore, #tpu.memory_space<semaphore_mem>>) src(%dma_wait3A_112 : memref<10000x16xf32, #tpu.memory_space<hbm>>) dst(%arg9 : memref<128x16xf32, #tpu.memory_space<vmem>>)
      "tpu.region"() ({
        %run_scoped3A_113 = tpu.sem_alloc : memref<!tpu.dma_semaphore, #tpu.memory_space<semaphore_mem>>
        %dma_start3A_114 = arith.constant 0 : i32
        %dma_start3A_115 = tpu.memref_slice %arg7[%add3A_86, %dma_start3A_114] : memref<80x128xi32, #tpu.memory_space<vmem>> -> memref<1x128xi32, #tpu.memory_space<vmem>>
        %dma_start3A_116 = tpu.memref_squeeze %dma_start3A_115 : memref<1x128xi32, #tpu.memory_space<vmem>> -> memref<128xi32, #tpu.memory_space<vmem>>
        %dma_start3A_117 = arith.constant 0 : i32
        %dma_start3A_118 = arith.constant 0 : i32
        %dma_start3A_119 = tpu.memref_slice %arg11[%dma_start3A_117, %dma_start3A_118] : memref<10240x16xf32, #tpu.memory_space<vmem_shared>> -> memref<10240x16xf32, #tpu.memory_space<vmem_shared>>
        tpu.enqueue_indirect_dma source(%arg9 : memref<128x16xf32, #tpu.memory_space<vmem>>) target(%dma_start3A_119 : memref<10240x16xf32, #tpu.memory_space<vmem_shared>>) offsets(%dma_start3A_116 : memref<128xi32, #tpu.memory_space<vmem>>) semaphore(%run_scoped3A_113 : memref<!tpu.dma_semaphore, #tpu.memory_space<semaphore_mem>>) {add = true}
        %dma_wait3A_120 = arith.constant 0 : i32
        %dma_wait3A_121 = tpu.memref_slice %arg7[%add3A_86, %dma_wait3A_120] : memref<80x128xi32, #tpu.memory_space<vmem>> -> memref<1x128xi32, #tpu.memory_space<vmem>>
        %dma_wait3A_122 = tpu.memref_squeeze %dma_wait3A_121 : memref<1x128xi32, #tpu.memory_space<vmem>> -> memref<128xi32, #tpu.memory_space<vmem>>
        %dma_wait3A_123 = arith.constant 0 : i32
        %dma_wait3A_124 = arith.constant 0 : i32
        %dma_wait3A_125 = tpu.memref_slice %arg11[%dma_wait3A_123, %dma_wait3A_124] : memref<10240x16xf32, #tpu.memory_space<vmem_shared>> -> memref<10240x16xf32, #tpu.memory_space<vmem_shared>>
        tpu.wait_indirect_dma semaphore(%run_scoped3A_113 : memref<!tpu.dma_semaphore, #tpu.memory_space<semaphore_mem>>) src(%arg9 : memref<128x16xf32, #tpu.memory_space<vmem>>) dst(%dma_wait3A_125 : memref<10240x16xf32, #tpu.memory_space<vmem_shared>>)
        tpu.yield
      }) : () -> ()
    }
    %scan3A_54 = arith.constant 39 : i32
    %dma_start3A_55 = arith.constant 79 : i32
    %dma_start3A_56 = arith.constant 0 : i32
    %dma_start3A_57 = tpu.memref_slice %arg6[%dma_start3A_55, %dma_start3A_56] : memref<80x128xi32, #tpu.memory_space<vmem>> -> memref<1x128xi32, #tpu.memory_space<vmem>>
    %dma_start3A_58 = tpu.memref_squeeze %dma_start3A_57 : memref<1x128xi32, #tpu.memory_space<vmem>> -> memref<128xi32, #tpu.memory_space<vmem>>
    %dma_start3A_59 = arith.constant 0 : i32
    %dma_start3A_60 = arith.constant 0 : i32
    %dma_start3A_61 = tpu.memref_slice %arg2[%dma_start3A_59, %dma_start3A_60] : memref<10000x16xf32, #tpu.memory_space<hbm>> -> memref<10000x16xf32, #tpu.memory_space<hbm>>
    tpu.enqueue_indirect_dma source(%dma_start3A_61 : memref<10000x16xf32, #tpu.memory_space<hbm>>) target(%arg9 : memref<128x16xf32, #tpu.memory_space<vmem>>) offsets(%dma_start3A_58 : memref<128xi32, #tpu.memory_space<vmem>>) semaphore(%arg13 : memref<!tpu.dma_semaphore, #tpu.memory_space<semaphore_mem>>)
    %dma_wait3A_62 = arith.constant 78 : i32
    %dma_wait3A_63 = arith.constant 0 : i32
    %dma_wait3A_64 = tpu.memref_slice %arg6[%dma_wait3A_62, %dma_wait3A_63] : memref<80x128xi32, #tpu.memory_space<vmem>> -> memref<1x128xi32, #tpu.memory_space<vmem>>
    %dma_wait3A_65 = tpu.memref_squeeze %dma_wait3A_64 : memref<1x128xi32, #tpu.memory_space<vmem>> -> memref<128xi32, #tpu.memory_space<vmem>>
    %dma_wait3A_66 = arith.constant 0 : i32
    %dma_wait3A_67 = arith.constant 0 : i32
    %dma_wait3A_68 = tpu.memref_slice %arg2[%dma_wait3A_66, %dma_wait3A_67] : memref<10000x16xf32, #tpu.memory_space<hbm>> -> memref<10000x16xf32, #tpu.memory_space<hbm>>
    tpu.wait_indirect_dma semaphore(%arg12 : memref<!tpu.dma_semaphore, #tpu.memory_space<semaphore_mem>>) src(%dma_wait3A_68 : memref<10000x16xf32, #tpu.memory_space<hbm>>) dst(%arg8 : memref<128x16xf32, #tpu.memory_space<vmem>>)
    %run_scoped3A = arith.constant 78 : i32
    "tpu.region"() ({
      %run_scoped3A_82 = tpu.sem_alloc : memref<!tpu.dma_semaphore, #tpu.memory_space<semaphore_mem>>
      %dma_start3A_83 = arith.constant 0 : i32
      %dma_start3A_84 = tpu.memref_slice %arg7[%run_scoped3A, %dma_start3A_83] : memref<80x128xi32, #tpu.memory_space<vmem>> -> memref<1x128xi32, #tpu.memory_space<vmem>>
      %dma_start3A_85 = tpu.memref_squeeze %dma_start3A_84 : memref<1x128xi32, #tpu.memory_space<vmem>> -> memref<128xi32, #tpu.memory_space<vmem>>
      %dma_start3A_86 = arith.constant 0 : i32
      %dma_start3A_87 = arith.constant 0 : i32
      %dma_start3A_88 = tpu.memref_slice %arg11[%dma_start3A_86, %dma_start3A_87] : memref<10240x16xf32, #tpu.memory_space<vmem_shared>> -> memref<10240x16xf32, #tpu.memory_space<vmem_shared>>
      tpu.enqueue_indirect_dma source(%arg8 : memref<128x16xf32, #tpu.memory_space<vmem>>) target(%dma_start3A_88 : memref<10240x16xf32, #tpu.memory_space<vmem_shared>>) offsets(%dma_start3A_85 : memref<128xi32, #tpu.memory_space<vmem>>) semaphore(%run_scoped3A_82 : memref<!tpu.dma_semaphore, #tpu.memory_space<semaphore_mem>>) {add = true}
      %dma_wait3A_89 = arith.constant 0 : i32
      %dma_wait3A_90 = tpu.memref_slice %arg7[%run_scoped3A, %dma_wait3A_89] : memref<80x128xi32, #tpu.memory_space<vmem>> -> memref<1x128xi32, #tpu.memory_space<vmem>>
      %dma_wait3A_91 = tpu.memref_squeeze %dma_wait3A_90 : memref<1x128xi32, #tpu.memory_space<vmem>> -> memref<128xi32, #tpu.memory_space<vmem>>
      %dma_wait3A_92 = arith.constant 0 : i32
      %dma_wait3A_93 = arith.constant 0 : i32
      %dma_wait3A_94 = tpu.memref_slice %arg11[%dma_wait3A_92, %dma_wait3A_93] : memref<10240x16xf32, #tpu.memory_space<vmem_shared>> -> memref<10240x16xf32, #tpu.memory_space<vmem_shared>>
      tpu.wait_indirect_dma semaphore(%run_scoped3A_82 : memref<!tpu.dma_semaphore, #tpu.memory_space<semaphore_mem>>) src(%arg8 : memref<128x16xf32, #tpu.memory_space<vmem>>) dst(%dma_wait3A_94 : memref<10240x16xf32, #tpu.memory_space<vmem_shared>>)
      tpu.yield
    }) : () -> ()
    %dma_wait3A_69 = arith.constant 79 : i32
    %dma_wait3A_70 = arith.constant 0 : i32
    %dma_wait3A_71 = tpu.memref_slice %arg6[%dma_wait3A_69, %dma_wait3A_70] : memref<80x128xi32, #tpu.memory_space<vmem>> -> memref<1x128xi32, #tpu.memory_space<vmem>>
    %dma_wait3A_72 = tpu.memref_squeeze %dma_wait3A_71 : memref<1x128xi32, #tpu.memory_space<vmem>> -> memref<128xi32, #tpu.memory_space<vmem>>
    %dma_wait3A_73 = arith.constant 0 : i32
    %dma_wait3A_74 = arith.constant 0 : i32
    %dma_wait3A_75 = tpu.memref_slice %arg2[%dma_wait3A_73, %dma_wait3A_74] : memref<10000x16xf32, #tpu.memory_space<hbm>> -> memref<10000x16xf32, #tpu.memory_space<hbm>>
    tpu.wait_indirect_dma semaphore(%arg13 : memref<!tpu.dma_semaphore, #tpu.memory_space<semaphore_mem>>) src(%dma_wait3A_75 : memref<10000x16xf32, #tpu.memory_space<hbm>>) dst(%arg9 : memref<128x16xf32, #tpu.memory_space<vmem>>)
    %run_scoped3A_76 = arith.constant 79 : i32
    "tpu.region"() ({
      %run_scoped3A_82 = tpu.sem_alloc : memref<!tpu.dma_semaphore, #tpu.memory_space<semaphore_mem>>
      %dma_start3A_83 = arith.constant 0 : i32
      %dma_start3A_84 = tpu.memref_slice %arg7[%run_scoped3A_76, %dma_start3A_83] : memref<80x128xi32, #tpu.memory_space<vmem>> -> memref<1x128xi32, #tpu.memory_space<vmem>>
      %dma_start3A_85 = tpu.memref_squeeze %dma_start3A_84 : memref<1x128xi32, #tpu.memory_space<vmem>> -> memref<128xi32, #tpu.memory_space<vmem>>
      %dma_start3A_86 = arith.constant 0 : i32
      %dma_start3A_87 = arith.constant 0 : i32
      %dma_start3A_88 = tpu.memref_slice %arg11[%dma_start3A_86, %dma_start3A_87] : memref<10240x16xf32, #tpu.memory_space<vmem_shared>> -> memref<10240x16xf32, #tpu.memory_space<vmem_shared>>
      tpu.enqueue_indirect_dma source(%arg9 : memref<128x16xf32, #tpu.memory_space<vmem>>) target(%dma_start3A_88 : memref<10240x16xf32, #tpu.memory_space<vmem_shared>>) offsets(%dma_start3A_85 : memref<128xi32, #tpu.memory_space<vmem>>) semaphore(%run_scoped3A_82 : memref<!tpu.dma_semaphore, #tpu.memory_space<semaphore_mem>>) {add = true}
      %dma_wait3A_89 = arith.constant 0 : i32
      %dma_wait3A_90 = tpu.memref_slice %arg7[%run_scoped3A_76, %dma_wait3A_89] : memref<80x128xi32, #tpu.memory_space<vmem>> -> memref<1x128xi32, #tpu.memory_space<vmem>>
      %dma_wait3A_91 = tpu.memref_squeeze %dma_wait3A_90 : memref<1x128xi32, #tpu.memory_space<vmem>> -> memref<128xi32, #tpu.memory_space<vmem>>
      %dma_wait3A_92 = arith.constant 0 : i32
      %dma_wait3A_93 = arith.constant 0 : i32
      %dma_wait3A_94 = tpu.memref_slice %arg11[%dma_wait3A_92, %dma_wait3A_93] : memref<10240x16xf32, #tpu.memory_space<vmem_shared>> -> memref<10240x16xf32, #tpu.memory_space<vmem_shared>>
      tpu.wait_indirect_dma semaphore(%run_scoped3A_82 : memref<!tpu.dma_semaphore, #tpu.memory_space<semaphore_mem>>) src(%arg9 : memref<128x16xf32, #tpu.memory_space<vmem>>) dst(%dma_wait3A_94 : memref<10240x16xf32, #tpu.memory_space<vmem_shared>>)
      tpu.yield
    }) : () -> ()
    %barrier3A_77 = arith.constant 0 : index
    tpu.barrier barrier_id(%barrier3A_77)
    %mul3A_78 = arith.constant 640 : i32
    %mul3A_79 = arith.muli %arg1, %mul3A_78 : i32
    %mul3A_80 = arith.constant 640 : i32
    %mul3A_81 = arith.muli %arg1, %mul3A_80 : i32
    "tpu.region"() ({
      %run_scoped3A_82 = tpu.sem_alloc : memref<!tpu.dma_semaphore, #tpu.memory_space<semaphore_mem>>
      %dma_start3A_83 = arith.constant 0 : i32
      %dma_start3A_84 = tpu.memref_slice %arg5[%arg0, %mul3A_81, %dma_start3A_83] : memref<2x10240x16xf32, #tpu.memory_space<hbm>> -> memref<1x640x16xf32, #tpu.memory_space<hbm>>
      %dma_start3A_85 = tpu.memref_squeeze %dma_start3A_84 : memref<1x640x16xf32, #tpu.memory_space<hbm>> -> memref<640x16xf32, #tpu.memory_space<hbm>>
      %dma_start3A_86 = arith.constant 0 : i32
      %dma_start3A_87 = tpu.memref_slice %arg11[%mul3A_79, %dma_start3A_86] : memref<10240x16xf32, #tpu.memory_space<vmem_shared>> -> memref<640x16xf32, #tpu.memory_space<vmem_shared>>
      tpu.enqueue_dma source(%dma_start3A_87 : memref<640x16xf32, #tpu.memory_space<vmem_shared>>) target(%dma_start3A_85 : memref<640x16xf32, #tpu.memory_space<hbm>>) target_semaphore(%run_scoped3A_82 : memref<!tpu.dma_semaphore, #tpu.memory_space<semaphore_mem>>)
      %dma_wait3A_88 = arith.constant 0 : i32
      %dma_wait3A_89 = tpu.memref_slice %arg5[%arg0, %mul3A_81, %dma_wait3A_88] : memref<2x10240x16xf32, #tpu.memory_space<hbm>> -> memref<1x640x16xf32, #tpu.memory_space<hbm>>
      %dma_wait3A_90 = tpu.memref_squeeze %dma_wait3A_89 : memref<1x640x16xf32, #tpu.memory_space<hbm>> -> memref<640x16xf32, #tpu.memory_space<hbm>>
      %dma_wait3A_91 = arith.constant 0 : i32
      %dma_wait3A_92 = tpu.memref_slice %arg11[%mul3A_79, %dma_wait3A_91] : memref<10240x16xf32, #tpu.memory_space<vmem_shared>> -> memref<640x16xf32, #tpu.memory_space<vmem_shared>>
      tpu.wait_dma2 semaphore(%run_scoped3A_82 : memref<!tpu.dma_semaphore, #tpu.memory_space<semaphore_mem>>) src(%dma_wait3A_92 : memref<640x16xf32, #tpu.memory_space<vmem_shared>>) dst(%dma_wait3A_90 : memref<640x16xf32, #tpu.memory_space<hbm>>)
      tpu.yield
    }) : () -> ()
    return
  }
}

#map = affine_map<(d0, d1) -> (0, 0)>
#map1 = affine_map<(d0, d1) -> (0, 0, 0)>
module attributes {stable_mosaic.version = 14 : i64} {
  func.func @_edge_agg(%arg0: i32, %arg1: i32, %arg2: memref<10240x16xf32, #tpu.memory_space<hbm>>, %arg3: memref<32x80x128xi32, #tpu.memory_space<hbm>>, %arg4: memref<32x80x128xi32, #tpu.memory_space<hbm>>, %arg5: memref<2x10240x16xf32, #tpu.memory_space<hbm>>, %arg6: memref<80x128xi32, #tpu.memory_space<vmem>>, %arg7: memref<80x128xi32, #tpu.memory_space<vmem>>, %arg8: memref<128x16xf32, #tpu.memory_space<vmem>>, %arg9: memref<128x16xf32, #tpu.memory_space<vmem>>, %arg10: memref<64x16xf32, #tpu.memory_space<vmem>>, %arg11: memref<10240x16xf32, #tpu.memory_space<vmem_shared>>, %arg12: memref<!tpu.dma_semaphore, #tpu.memory_space<semaphore_mem>>, %arg13: memref<!tpu.dma_semaphore, #tpu.memory_space<semaphore_mem>>, %arg14: memref<!tpu.dma_semaphore, #tpu.memory_space<semaphore_mem>>) attributes {dimension_semantics = [#tpu.dimension_semantics<core_parallel>, #tpu.dimension_semantics<subcore_parallel>], iteration_bounds = array<i64: 2, 16>, scalar_prefetch = 0 : i64, scratch_operands = 9 : i64, tpu.core_type = #tpu.core_type<sc_vector_subcore>, window_params = [{transform_indices = #map}, {transform_indices = #map1}, {transform_indices = #map1}, {transform_indices = #map1}]} {
    %mul3A = arith.constant 16 : i32
    %mul3A_0 = arith.muli %arg0, %mul3A : i32
    %add3A = arith.addi %mul3A_0, %arg1 : i32
    %dma_start3A = arith.constant 0 : i32
    %dma_start3A_1 = arith.constant 0 : i32
    %dma_start3A_2 = tpu.memref_slice %arg3[%add3A, %dma_start3A, %dma_start3A_1] : memref<32x80x128xi32, #tpu.memory_space<hbm>> -> memref<1x80x128xi32, #tpu.memory_space<hbm>>
    %dma_start3A_3 = tpu.memref_squeeze %dma_start3A_2 : memref<1x80x128xi32, #tpu.memory_space<hbm>> -> memref<80x128xi32, #tpu.memory_space<hbm>>
    %dma_start3A_4 = arith.constant 0 : i32
    %dma_start3A_5 = arith.constant 0 : i32
    %dma_start3A_6 = tpu.memref_slice %arg3[%add3A, %dma_start3A_4, %dma_start3A_5] : memref<32x80x128xi32, #tpu.memory_space<hbm>> -> memref<1x80x128xi32, #tpu.memory_space<hbm>>
    %dma_start3A_7 = tpu.memref_squeeze %dma_start3A_6 : memref<1x80x128xi32, #tpu.memory_space<hbm>> -> memref<80x128xi32, #tpu.memory_space<hbm>>
    tpu.enqueue_dma source(%dma_start3A_7 : memref<80x128xi32, #tpu.memory_space<hbm>>) target(%arg6 : memref<80x128xi32, #tpu.memory_space<vmem>>) target_semaphore(%arg14 : memref<!tpu.dma_semaphore, #tpu.memory_space<semaphore_mem>>)
    %dma_start3A_8 = arith.constant 0 : i32
    %dma_start3A_9 = arith.constant 0 : i32
    %dma_start3A_10 = tpu.memref_slice %arg4[%add3A, %dma_start3A_8, %dma_start3A_9] : memref<32x80x128xi32, #tpu.memory_space<hbm>> -> memref<1x80x128xi32, #tpu.memory_space<hbm>>
    %dma_start3A_11 = tpu.memref_squeeze %dma_start3A_10 : memref<1x80x128xi32, #tpu.memory_space<hbm>> -> memref<80x128xi32, #tpu.memory_space<hbm>>
    %dma_start3A_12 = arith.constant 0 : i32
    %dma_start3A_13 = arith.constant 0 : i32
    %dma_start3A_14 = tpu.memref_slice %arg4[%add3A, %dma_start3A_12, %dma_start3A_13] : memref<32x80x128xi32, #tpu.memory_space<hbm>> -> memref<1x80x128xi32, #tpu.memory_space<hbm>>
    %dma_start3A_15 = tpu.memref_squeeze %dma_start3A_14 : memref<1x80x128xi32, #tpu.memory_space<hbm>> -> memref<80x128xi32, #tpu.memory_space<hbm>>
    tpu.enqueue_dma source(%dma_start3A_15 : memref<80x128xi32, #tpu.memory_space<hbm>>) target(%arg7 : memref<80x128xi32, #tpu.memory_space<vmem>>) target_semaphore(%arg14 : memref<!tpu.dma_semaphore, #tpu.memory_space<semaphore_mem>>)
    %scan3A = arith.constant 0 : i32
    %scan3A_16 = arith.constant 0 : i32
    %scan3A_17 = arith.constant 64 : i32
    %scan3A_18 = arith.addi %scan3A_16, %scan3A_17 : i32
    %scan3A_19 = arith.constant 1 : i32
    scf.for %scan3A_82 = %scan3A_16 to %scan3A_18 step %scan3A_19  : i32 {
      %broadcast_in_dim3A = arith.constant 0.000000e+00 : f32
      %broadcast_in_dim3A_83 = vector.broadcast %broadcast_in_dim3A : f32 to vector<16xf32>
      %swap3A = arith.index_cast %scan3A_82 : i32 to index
      %swap3A_84 = arith.constant 0 : index
      %swap3A_85 = tpu.vector_load %arg10[%swap3A, %swap3A_84] {strides = array<i32>} : memref<64x16xf32, #tpu.memory_space<vmem>>, vector<1x16xf32>,
      %swap3A_86 = vector.shape_cast %swap3A_85 : vector<1x16xf32> to vector<16xf32>
      %swap3A_87 = vector.shape_cast %broadcast_in_dim3A_83 : vector<16xf32> to vector<1x16xf32>
      tpu.vector_store %arg10[%swap3A, %swap3A_84], %swap3A_87 {strides = array<i32>} : memref<64x16xf32, #tpu.memory_space<vmem>>, vector<1x16xf32>,
    }
    %scan3A_20 = arith.constant 64 : i32
    %scan3A_21 = arith.constant 0 : i32
    %scan3A_22 = arith.constant 0 : i32
    %scan3A_23 = arith.constant 10 : i32
    %scan3A_24 = arith.addi %scan3A_22, %scan3A_23 : i32
    %scan3A_25 = arith.constant 1 : i32
    scf.for %scan3A_82 = %scan3A_22 to %scan3A_24 step %scan3A_25  : i32 {
      %mul3A_83 = arith.constant 640 : i32
      %mul3A_84 = arith.muli %arg1, %mul3A_83 : i32
      %mul3A_85 = arith.constant 64 : i32
      %mul3A_86 = arith.muli %scan3A_82, %mul3A_85 : i32
      %add3A_87 = arith.addi %mul3A_84, %mul3A_86 : i32
      "tpu.region"() ({
        %run_scoped3A_88 = tpu.sem_alloc : memref<!tpu.dma_semaphore, #tpu.memory_space<semaphore_mem>>
        %dma_start3A_89 = arith.constant 0 : i32
        %dma_start3A_90 = tpu.memref_slice %arg11[%add3A_87, %dma_start3A_89] : memref<10240x16xf32, #tpu.memory_space<vmem_shared>> -> memref<64x16xf32, #tpu.memory_space<vmem_shared>>
        %dma_start3A_91 = arith.constant 0 : i32
        %dma_start3A_92 = tpu.memref_slice %arg11[%add3A_87, %dma_start3A_91] : memref<10240x16xf32, #tpu.memory_space<vmem_shared>> -> memref<64x16xf32, #tpu.memory_space<vmem_shared>>
        tpu.enqueue_dma source(%arg10 : memref<64x16xf32, #tpu.memory_space<vmem>>) target(%dma_start3A_92 : memref<64x16xf32, #tpu.memory_space<vmem_shared>>) target_semaphore(%run_scoped3A_88 : memref<!tpu.dma_semaphore, #tpu.memory_space<semaphore_mem>>)
        %dma_wait3A_93 = arith.constant 0 : i32
        %dma_wait3A_94 = tpu.memref_slice %arg11[%add3A_87, %dma_wait3A_93] : memref<10240x16xf32, #tpu.memory_space<vmem_shared>> -> memref<64x16xf32, #tpu.memory_space<vmem_shared>>
        %dma_wait3A_95 = arith.constant 0 : i32
        %dma_wait3A_96 = tpu.memref_slice %arg11[%add3A_87, %dma_wait3A_95] : memref<10240x16xf32, #tpu.memory_space<vmem_shared>> -> memref<64x16xf32, #tpu.memory_space<vmem_shared>>
        tpu.wait_dma2 semaphore(%run_scoped3A_88 : memref<!tpu.dma_semaphore, #tpu.memory_space<semaphore_mem>>) src(%arg10 : memref<64x16xf32, #tpu.memory_space<vmem>>) dst(%dma_wait3A_96 : memref<64x16xf32, #tpu.memory_space<vmem_shared>>)
        tpu.yield
      }) : () -> ()
    }
    %scan3A_26 = arith.constant 10 : i32
    %dma_wait3A = arith.constant 0 : i32
    %dma_wait3A_27 = arith.constant 0 : i32
    %dma_wait3A_28 = tpu.memref_slice %arg3[%add3A, %dma_wait3A, %dma_wait3A_27] : memref<32x80x128xi32, #tpu.memory_space<hbm>> -> memref<1x80x128xi32, #tpu.memory_space<hbm>>
    %dma_wait3A_29 = tpu.memref_squeeze %dma_wait3A_28 : memref<1x80x128xi32, #tpu.memory_space<hbm>> -> memref<80x128xi32, #tpu.memory_space<hbm>>
    %dma_wait3A_30 = arith.constant 0 : i32
    %dma_wait3A_31 = arith.constant 0 : i32
    %dma_wait3A_32 = tpu.memref_slice %arg3[%add3A, %dma_wait3A_30, %dma_wait3A_31] : memref<32x80x128xi32, #tpu.memory_space<hbm>> -> memref<1x80x128xi32, #tpu.memory_space<hbm>>
    %dma_wait3A_33 = tpu.memref_squeeze %dma_wait3A_32 : memref<1x80x128xi32, #tpu.memory_space<hbm>> -> memref<80x128xi32, #tpu.memory_space<hbm>>
    tpu.wait_dma2 semaphore(%arg14 : memref<!tpu.dma_semaphore, #tpu.memory_space<semaphore_mem>>) src(%dma_wait3A_33 : memref<80x128xi32, #tpu.memory_space<hbm>>) dst(%arg6 : memref<80x128xi32, #tpu.memory_space<vmem>>)
    %dma_wait3A_34 = arith.constant 0 : i32
    %dma_wait3A_35 = arith.constant 0 : i32
    %dma_wait3A_36 = tpu.memref_slice %arg4[%add3A, %dma_wait3A_34, %dma_wait3A_35] : memref<32x80x128xi32, #tpu.memory_space<hbm>> -> memref<1x80x128xi32, #tpu.memory_space<hbm>>
    %dma_wait3A_37 = tpu.memref_squeeze %dma_wait3A_36 : memref<1x80x128xi32, #tpu.memory_space<hbm>> -> memref<80x128xi32, #tpu.memory_space<hbm>>
    %dma_wait3A_38 = arith.constant 0 : i32
    %dma_wait3A_39 = arith.constant 0 : i32
    %dma_wait3A_40 = tpu.memref_slice %arg4[%add3A, %dma_wait3A_38, %dma_wait3A_39] : memref<32x80x128xi32, #tpu.memory_space<hbm>> -> memref<1x80x128xi32, #tpu.memory_space<hbm>>
    %dma_wait3A_41 = tpu.memref_squeeze %dma_wait3A_40 : memref<1x80x128xi32, #tpu.memory_space<hbm>> -> memref<80x128xi32, #tpu.memory_space<hbm>>
    tpu.wait_dma2 semaphore(%arg14 : memref<!tpu.dma_semaphore, #tpu.memory_space<semaphore_mem>>) src(%dma_wait3A_41 : memref<80x128xi32, #tpu.memory_space<hbm>>) dst(%arg7 : memref<80x128xi32, #tpu.memory_space<vmem>>)
    %barrier3A = arith.constant 0 : index
    tpu.barrier barrier_id(%barrier3A)
    %dma_start3A_42 = arith.constant 0 : i32
    %dma_start3A_43 = arith.constant 0 : i32
    %dma_start3A_44 = tpu.memref_slice %arg6[%dma_start3A_42, %dma_start3A_43] : memref<80x128xi32, #tpu.memory_space<vmem>> -> memref<1x128xi32, #tpu.memory_space<vmem>>
    %dma_start3A_45 = tpu.memref_squeeze %dma_start3A_44 : memref<1x128xi32, #tpu.memory_space<vmem>> -> memref<128xi32, #tpu.memory_space<vmem>>
    %dma_start3A_46 = arith.constant 0 : i32
    %dma_start3A_47 = arith.constant 0 : i32
    %dma_start3A_48 = tpu.memref_slice %arg2[%dma_start3A_46, %dma_start3A_47] : memref<10240x16xf32, #tpu.memory_space<hbm>> -> memref<10240x16xf32, #tpu.memory_space<hbm>>
    tpu.enqueue_indirect_dma source(%dma_start3A_48 : memref<10240x16xf32, #tpu.memory_space<hbm>>) target(%arg8 : memref<128x16xf32, #tpu.memory_space<vmem>>) offsets(%dma_start3A_45 : memref<128xi32, #tpu.memory_space<vmem>>) semaphore(%arg12 : memref<!tpu.dma_semaphore, #tpu.memory_space<semaphore_mem>>)
    %scan3A_49 = arith.constant 0 : i32
    %scan3A_50 = arith.constant 0 : i32
    %scan3A_51 = arith.constant 39 : i32
    %scan3A_52 = arith.addi %scan3A_50, %scan3A_51 : i32
    %scan3A_53 = arith.constant 1 : i32
    scf.for %scan3A_82 = %scan3A_50 to %scan3A_52 step %scan3A_53  : i32 {
      %mul3A_83 = arith.constant 2 : i32
      %mul3A_84 = arith.muli %mul3A_83, %scan3A_82 : i32
      %add3A_85 = arith.constant 1 : i32
      %add3A_86 = arith.addi %mul3A_84, %add3A_85 : i32
      %dma_start3A_87 = arith.constant 0 : i32
      %dma_start3A_88 = tpu.memref_slice %arg6[%add3A_86, %dma_start3A_87] : memref<80x128xi32, #tpu.memory_space<vmem>> -> memref<1x128xi32, #tpu.memory_space<vmem>>
      %dma_start3A_89 = tpu.memref_squeeze %dma_start3A_88 : memref<1x128xi32, #tpu.memory_space<vmem>> -> memref<128xi32, #tpu.memory_space<vmem>>
      %dma_start3A_90 = arith.constant 0 : i32
      %dma_start3A_91 = arith.constant 0 : i32
      %dma_start3A_92 = tpu.memref_slice %arg2[%dma_start3A_90, %dma_start3A_91] : memref<10240x16xf32, #tpu.memory_space<hbm>> -> memref<10240x16xf32, #tpu.memory_space<hbm>>
      tpu.enqueue_indirect_dma source(%dma_start3A_92 : memref<10240x16xf32, #tpu.memory_space<hbm>>) target(%arg9 : memref<128x16xf32, #tpu.memory_space<vmem>>) offsets(%dma_start3A_89 : memref<128xi32, #tpu.memory_space<vmem>>) semaphore(%arg13 : memref<!tpu.dma_semaphore, #tpu.memory_space<semaphore_mem>>)
      %dma_wait3A_93 = arith.constant 0 : i32
      %dma_wait3A_94 = tpu.memref_slice %arg6[%mul3A_84, %dma_wait3A_93] : memref<80x128xi32, #tpu.memory_space<vmem>> -> memref<1x128xi32, #tpu.memory_space<vmem>>
      %dma_wait3A_95 = tpu.memref_squeeze %dma_wait3A_94 : memref<1x128xi32, #tpu.memory_space<vmem>> -> memref<128xi32, #tpu.memory_space<vmem>>
      %dma_wait3A_96 = arith.constant 0 : i32
      %dma_wait3A_97 = arith.constant 0 : i32
      %dma_wait3A_98 = tpu.memref_slice %arg2[%dma_wait3A_96, %dma_wait3A_97] : memref<10240x16xf32, #tpu.memory_space<hbm>> -> memref<10240x16xf32, #tpu.memory_space<hbm>>
      tpu.wait_indirect_dma semaphore(%arg12 : memref<!tpu.dma_semaphore, #tpu.memory_space<semaphore_mem>>) src(%dma_wait3A_98 : memref<10240x16xf32, #tpu.memory_space<hbm>>) dst(%arg8 : memref<128x16xf32, #tpu.memory_space<vmem>>)
      "tpu.region"() ({
        %run_scoped3A_113 = tpu.sem_alloc : memref<!tpu.dma_semaphore, #tpu.memory_space<semaphore_mem>>
        %dma_start3A_114 = arith.constant 0 : i32
        %dma_start3A_115 = tpu.memref_slice %arg7[%mul3A_84, %dma_start3A_114] : memref<80x128xi32, #tpu.memory_space<vmem>> -> memref<1x128xi32, #tpu.memory_space<vmem>>
        %dma_start3A_116 = tpu.memref_squeeze %dma_start3A_115 : memref<1x128xi32, #tpu.memory_space<vmem>> -> memref<128xi32, #tpu.memory_space<vmem>>
        %dma_start3A_117 = arith.constant 0 : i32
        %dma_start3A_118 = arith.constant 0 : i32
        %dma_start3A_119 = tpu.memref_slice %arg11[%dma_start3A_117, %dma_start3A_118] : memref<10240x16xf32, #tpu.memory_space<vmem_shared>> -> memref<10240x16xf32, #tpu.memory_space<vmem_shared>>
        tpu.enqueue_indirect_dma source(%arg8 : memref<128x16xf32, #tpu.memory_space<vmem>>) target(%dma_start3A_119 : memref<10240x16xf32, #tpu.memory_space<vmem_shared>>) offsets(%dma_start3A_116 : memref<128xi32, #tpu.memory_space<vmem>>) semaphore(%run_scoped3A_113 : memref<!tpu.dma_semaphore, #tpu.memory_space<semaphore_mem>>) {add = true}
        %dma_wait3A_120 = arith.constant 0 : i32
        %dma_wait3A_121 = tpu.memref_slice %arg7[%mul3A_84, %dma_wait3A_120] : memref<80x128xi32, #tpu.memory_space<vmem>> -> memref<1x128xi32, #tpu.memory_space<vmem>>
        %dma_wait3A_122 = tpu.memref_squeeze %dma_wait3A_121 : memref<1x128xi32, #tpu.memory_space<vmem>> -> memref<128xi32, #tpu.memory_space<vmem>>
        %dma_wait3A_123 = arith.constant 0 : i32
        %dma_wait3A_124 = arith.constant 0 : i32
        %dma_wait3A_125 = tpu.memref_slice %arg11[%dma_wait3A_123, %dma_wait3A_124] : memref<10240x16xf32, #tpu.memory_space<vmem_shared>> -> memref<10240x16xf32, #tpu.memory_space<vmem_shared>>
        tpu.wait_indirect_dma semaphore(%run_scoped3A_113 : memref<!tpu.dma_semaphore, #tpu.memory_space<semaphore_mem>>) src(%arg8 : memref<128x16xf32, #tpu.memory_space<vmem>>) dst(%dma_wait3A_125 : memref<10240x16xf32, #tpu.memory_space<vmem_shared>>)
        tpu.yield
      }) : () -> ()
      %add3A_99 = arith.constant 2 : i32
      %add3A_100 = arith.addi %mul3A_84, %add3A_99 : i32
      %dma_start3A_101 = arith.constant 0 : i32
      %dma_start3A_102 = tpu.memref_slice %arg6[%add3A_100, %dma_start3A_101] : memref<80x128xi32, #tpu.memory_space<vmem>> -> memref<1x128xi32, #tpu.memory_space<vmem>>
      %dma_start3A_103 = tpu.memref_squeeze %dma_start3A_102 : memref<1x128xi32, #tpu.memory_space<vmem>> -> memref<128xi32, #tpu.memory_space<vmem>>
      %dma_start3A_104 = arith.constant 0 : i32
      %dma_start3A_105 = arith.constant 0 : i32
      %dma_start3A_106 = tpu.memref_slice %arg2[%dma_start3A_104, %dma_start3A_105] : memref<10240x16xf32, #tpu.memory_space<hbm>> -> memref<10240x16xf32, #tpu.memory_space<hbm>>
      tpu.enqueue_indirect_dma source(%dma_start3A_106 : memref<10240x16xf32, #tpu.memory_space<hbm>>) target(%arg8 : memref<128x16xf32, #tpu.memory_space<vmem>>) offsets(%dma_start3A_103 : memref<128xi32, #tpu.memory_space<vmem>>) semaphore(%arg12 : memref<!tpu.dma_semaphore, #tpu.memory_space<semaphore_mem>>)
      %dma_wait3A_107 = arith.constant 0 : i32
      %dma_wait3A_108 = tpu.memref_slice %arg6[%add3A_86, %dma_wait3A_107] : memref<80x128xi32, #tpu.memory_space<vmem>> -> memref<1x128xi32, #tpu.memory_space<vmem>>
      %dma_wait3A_109 = tpu.memref_squeeze %dma_wait3A_108 : memref<1x128xi32, #tpu.memory_space<vmem>> -> memref<128xi32, #tpu.memory_space<vmem>>
      %dma_wait3A_110 = arith.constant 0 : i32
      %dma_wait3A_111 = arith.constant 0 : i32
      %dma_wait3A_112 = tpu.memref_slice %arg2[%dma_wait3A_110, %dma_wait3A_111] : memref<10240x16xf32, #tpu.memory_space<hbm>> -> memref<10240x16xf32, #tpu.memory_space<hbm>>
      tpu.wait_indirect_dma semaphore(%arg13 : memref<!tpu.dma_semaphore, #tpu.memory_space<semaphore_mem>>) src(%dma_wait3A_112 : memref<10240x16xf32, #tpu.memory_space<hbm>>) dst(%arg9 : memref<128x16xf32, #tpu.memory_space<vmem>>)
      "tpu.region"() ({
        %run_scoped3A_113 = tpu.sem_alloc : memref<!tpu.dma_semaphore, #tpu.memory_space<semaphore_mem>>
        %dma_start3A_114 = arith.constant 0 : i32
        %dma_start3A_115 = tpu.memref_slice %arg7[%add3A_86, %dma_start3A_114] : memref<80x128xi32, #tpu.memory_space<vmem>> -> memref<1x128xi32, #tpu.memory_space<vmem>>
        %dma_start3A_116 = tpu.memref_squeeze %dma_start3A_115 : memref<1x128xi32, #tpu.memory_space<vmem>> -> memref<128xi32, #tpu.memory_space<vmem>>
        %dma_start3A_117 = arith.constant 0 : i32
        %dma_start3A_118 = arith.constant 0 : i32
        %dma_start3A_119 = tpu.memref_slice %arg11[%dma_start3A_117, %dma_start3A_118] : memref<10240x16xf32, #tpu.memory_space<vmem_shared>> -> memref<10240x16xf32, #tpu.memory_space<vmem_shared>>
        tpu.enqueue_indirect_dma source(%arg9 : memref<128x16xf32, #tpu.memory_space<vmem>>) target(%dma_start3A_119 : memref<10240x16xf32, #tpu.memory_space<vmem_shared>>) offsets(%dma_start3A_116 : memref<128xi32, #tpu.memory_space<vmem>>) semaphore(%run_scoped3A_113 : memref<!tpu.dma_semaphore, #tpu.memory_space<semaphore_mem>>) {add = true}
        %dma_wait3A_120 = arith.constant 0 : i32
        %dma_wait3A_121 = tpu.memref_slice %arg7[%add3A_86, %dma_wait3A_120] : memref<80x128xi32, #tpu.memory_space<vmem>> -> memref<1x128xi32, #tpu.memory_space<vmem>>
        %dma_wait3A_122 = tpu.memref_squeeze %dma_wait3A_121 : memref<1x128xi32, #tpu.memory_space<vmem>> -> memref<128xi32, #tpu.memory_space<vmem>>
        %dma_wait3A_123 = arith.constant 0 : i32
        %dma_wait3A_124 = arith.constant 0 : i32
        %dma_wait3A_125 = tpu.memref_slice %arg11[%dma_wait3A_123, %dma_wait3A_124] : memref<10240x16xf32, #tpu.memory_space<vmem_shared>> -> memref<10240x16xf32, #tpu.memory_space<vmem_shared>>
        tpu.wait_indirect_dma semaphore(%run_scoped3A_113 : memref<!tpu.dma_semaphore, #tpu.memory_space<semaphore_mem>>) src(%arg9 : memref<128x16xf32, #tpu.memory_space<vmem>>) dst(%dma_wait3A_125 : memref<10240x16xf32, #tpu.memory_space<vmem_shared>>)
        tpu.yield
      }) : () -> ()
    }
    %scan3A_54 = arith.constant 39 : i32
    %dma_start3A_55 = arith.constant 79 : i32
    %dma_start3A_56 = arith.constant 0 : i32
    %dma_start3A_57 = tpu.memref_slice %arg6[%dma_start3A_55, %dma_start3A_56] : memref<80x128xi32, #tpu.memory_space<vmem>> -> memref<1x128xi32, #tpu.memory_space<vmem>>
    %dma_start3A_58 = tpu.memref_squeeze %dma_start3A_57 : memref<1x128xi32, #tpu.memory_space<vmem>> -> memref<128xi32, #tpu.memory_space<vmem>>
    %dma_start3A_59 = arith.constant 0 : i32
    %dma_start3A_60 = arith.constant 0 : i32
    %dma_start3A_61 = tpu.memref_slice %arg2[%dma_start3A_59, %dma_start3A_60] : memref<10240x16xf32, #tpu.memory_space<hbm>> -> memref<10240x16xf32, #tpu.memory_space<hbm>>
    tpu.enqueue_indirect_dma source(%dma_start3A_61 : memref<10240x16xf32, #tpu.memory_space<hbm>>) target(%arg9 : memref<128x16xf32, #tpu.memory_space<vmem>>) offsets(%dma_start3A_58 : memref<128xi32, #tpu.memory_space<vmem>>) semaphore(%arg13 : memref<!tpu.dma_semaphore, #tpu.memory_space<semaphore_mem>>)
    %dma_wait3A_62 = arith.constant 78 : i32
    %dma_wait3A_63 = arith.constant 0 : i32
    %dma_wait3A_64 = tpu.memref_slice %arg6[%dma_wait3A_62, %dma_wait3A_63] : memref<80x128xi32, #tpu.memory_space<vmem>> -> memref<1x128xi32, #tpu.memory_space<vmem>>
    %dma_wait3A_65 = tpu.memref_squeeze %dma_wait3A_64 : memref<1x128xi32, #tpu.memory_space<vmem>> -> memref<128xi32, #tpu.memory_space<vmem>>
    %dma_wait3A_66 = arith.constant 0 : i32
    %dma_wait3A_67 = arith.constant 0 : i32
    %dma_wait3A_68 = tpu.memref_slice %arg2[%dma_wait3A_66, %dma_wait3A_67] : memref<10240x16xf32, #tpu.memory_space<hbm>> -> memref<10240x16xf32, #tpu.memory_space<hbm>>
    tpu.wait_indirect_dma semaphore(%arg12 : memref<!tpu.dma_semaphore, #tpu.memory_space<semaphore_mem>>) src(%dma_wait3A_68 : memref<10240x16xf32, #tpu.memory_space<hbm>>) dst(%arg8 : memref<128x16xf32, #tpu.memory_space<vmem>>)
    %run_scoped3A = arith.constant 78 : i32
    "tpu.region"() ({
      %run_scoped3A_82 = tpu.sem_alloc : memref<!tpu.dma_semaphore, #tpu.memory_space<semaphore_mem>>
      %dma_start3A_83 = arith.constant 0 : i32
      %dma_start3A_84 = tpu.memref_slice %arg7[%run_scoped3A, %dma_start3A_83] : memref<80x128xi32, #tpu.memory_space<vmem>> -> memref<1x128xi32, #tpu.memory_space<vmem>>
      %dma_start3A_85 = tpu.memref_squeeze %dma_start3A_84 : memref<1x128xi32, #tpu.memory_space<vmem>> -> memref<128xi32, #tpu.memory_space<vmem>>
      %dma_start3A_86 = arith.constant 0 : i32
      %dma_start3A_87 = arith.constant 0 : i32
      %dma_start3A_88 = tpu.memref_slice %arg11[%dma_start3A_86, %dma_start3A_87] : memref<10240x16xf32, #tpu.memory_space<vmem_shared>> -> memref<10240x16xf32, #tpu.memory_space<vmem_shared>>
      tpu.enqueue_indirect_dma source(%arg8 : memref<128x16xf32, #tpu.memory_space<vmem>>) target(%dma_start3A_88 : memref<10240x16xf32, #tpu.memory_space<vmem_shared>>) offsets(%dma_start3A_85 : memref<128xi32, #tpu.memory_space<vmem>>) semaphore(%run_scoped3A_82 : memref<!tpu.dma_semaphore, #tpu.memory_space<semaphore_mem>>) {add = true}
      %dma_wait3A_89 = arith.constant 0 : i32
      %dma_wait3A_90 = tpu.memref_slice %arg7[%run_scoped3A, %dma_wait3A_89] : memref<80x128xi32, #tpu.memory_space<vmem>> -> memref<1x128xi32, #tpu.memory_space<vmem>>
      %dma_wait3A_91 = tpu.memref_squeeze %dma_wait3A_90 : memref<1x128xi32, #tpu.memory_space<vmem>> -> memref<128xi32, #tpu.memory_space<vmem>>
      %dma_wait3A_92 = arith.constant 0 : i32
      %dma_wait3A_93 = arith.constant 0 : i32
      %dma_wait3A_94 = tpu.memref_slice %arg11[%dma_wait3A_92, %dma_wait3A_93] : memref<10240x16xf32, #tpu.memory_space<vmem_shared>> -> memref<10240x16xf32, #tpu.memory_space<vmem_shared>>
      tpu.wait_indirect_dma semaphore(%run_scoped3A_82 : memref<!tpu.dma_semaphore, #tpu.memory_space<semaphore_mem>>) src(%arg8 : memref<128x16xf32, #tpu.memory_space<vmem>>) dst(%dma_wait3A_94 : memref<10240x16xf32, #tpu.memory_space<vmem_shared>>)
      tpu.yield
    }) : () -> ()
    %dma_wait3A_69 = arith.constant 79 : i32
    %dma_wait3A_70 = arith.constant 0 : i32
    %dma_wait3A_71 = tpu.memref_slice %arg6[%dma_wait3A_69, %dma_wait3A_70] : memref<80x128xi32, #tpu.memory_space<vmem>> -> memref<1x128xi32, #tpu.memory_space<vmem>>
    %dma_wait3A_72 = tpu.memref_squeeze %dma_wait3A_71 : memref<1x128xi32, #tpu.memory_space<vmem>> -> memref<128xi32, #tpu.memory_space<vmem>>
    %dma_wait3A_73 = arith.constant 0 : i32
    %dma_wait3A_74 = arith.constant 0 : i32
    %dma_wait3A_75 = tpu.memref_slice %arg2[%dma_wait3A_73, %dma_wait3A_74] : memref<10240x16xf32, #tpu.memory_space<hbm>> -> memref<10240x16xf32, #tpu.memory_space<hbm>>
    tpu.wait_indirect_dma semaphore(%arg13 : memref<!tpu.dma_semaphore, #tpu.memory_space<semaphore_mem>>) src(%dma_wait3A_75 : memref<10240x16xf32, #tpu.memory_space<hbm>>) dst(%arg9 : memref<128x16xf32, #tpu.memory_space<vmem>>)
    %run_scoped3A_76 = arith.constant 79 : i32
    "tpu.region"() ({
      %run_scoped3A_82 = tpu.sem_alloc : memref<!tpu.dma_semaphore, #tpu.memory_space<semaphore_mem>>
      %dma_start3A_83 = arith.constant 0 : i32
      %dma_start3A_84 = tpu.memref_slice %arg7[%run_scoped3A_76, %dma_start3A_83] : memref<80x128xi32, #tpu.memory_space<vmem>> -> memref<1x128xi32, #tpu.memory_space<vmem>>
      %dma_start3A_85 = tpu.memref_squeeze %dma_start3A_84 : memref<1x128xi32, #tpu.memory_space<vmem>> -> memref<128xi32, #tpu.memory_space<vmem>>
      %dma_start3A_86 = arith.constant 0 : i32
      %dma_start3A_87 = arith.constant 0 : i32
      %dma_start3A_88 = tpu.memref_slice %arg11[%dma_start3A_86, %dma_start3A_87] : memref<10240x16xf32, #tpu.memory_space<vmem_shared>> -> memref<10240x16xf32, #tpu.memory_space<vmem_shared>>
      tpu.enqueue_indirect_dma source(%arg9 : memref<128x16xf32, #tpu.memory_space<vmem>>) target(%dma_start3A_88 : memref<10240x16xf32, #tpu.memory_space<vmem_shared>>) offsets(%dma_start3A_85 : memref<128xi32, #tpu.memory_space<vmem>>) semaphore(%run_scoped3A_82 : memref<!tpu.dma_semaphore, #tpu.memory_space<semaphore_mem>>) {add = true}
      %dma_wait3A_89 = arith.constant 0 : i32
      %dma_wait3A_90 = tpu.memref_slice %arg7[%run_scoped3A_76, %dma_wait3A_89] : memref<80x128xi32, #tpu.memory_space<vmem>> -> memref<1x128xi32, #tpu.memory_space<vmem>>
      %dma_wait3A_91 = tpu.memref_squeeze %dma_wait3A_90 : memref<1x128xi32, #tpu.memory_space<vmem>> -> memref<128xi32, #tpu.memory_space<vmem>>
      %dma_wait3A_92 = arith.constant 0 : i32
      %dma_wait3A_93 = arith.constant 0 : i32
      %dma_wait3A_94 = tpu.memref_slice %arg11[%dma_wait3A_92, %dma_wait3A_93] : memref<10240x16xf32, #tpu.memory_space<vmem_shared>> -> memref<10240x16xf32, #tpu.memory_space<vmem_shared>>
      tpu.wait_indirect_dma semaphore(%run_scoped3A_82 : memref<!tpu.dma_semaphore, #tpu.memory_space<semaphore_mem>>) src(%arg9 : memref<128x16xf32, #tpu.memory_space<vmem>>) dst(%dma_wait3A_94 : memref<10240x16xf32, #tpu.memory_space<vmem_shared>>)
      tpu.yield
    }) : () -> ()
    %barrier3A_77 = arith.constant 0 : index
    tpu.barrier barrier_id(%barrier3A_77)
    %mul3A_78 = arith.constant 640 : i32
    %mul3A_79 = arith.muli %arg1, %mul3A_78 : i32
    %mul3A_80 = arith.constant 640 : i32
    %mul3A_81 = arith.muli %arg1, %mul3A_80 : i32
    "tpu.region"() ({
      %run_scoped3A_82 = tpu.sem_alloc : memref<!tpu.dma_semaphore, #tpu.memory_space<semaphore_mem>>
      %dma_start3A_83 = arith.constant 0 : i32
      %dma_start3A_84 = tpu.memref_slice %arg5[%arg0, %mul3A_81, %dma_start3A_83] : memref<2x10240x16xf32, #tpu.memory_space<hbm>> -> memref<1x640x16xf32, #tpu.memory_space<hbm>>
      %dma_start3A_85 = tpu.memref_squeeze %dma_start3A_84 : memref<1x640x16xf32, #tpu.memory_space<hbm>> -> memref<640x16xf32, #tpu.memory_space<hbm>>
      %dma_start3A_86 = arith.constant 0 : i32
      %dma_start3A_87 = tpu.memref_slice %arg11[%mul3A_79, %dma_start3A_86] : memref<10240x16xf32, #tpu.memory_space<vmem_shared>> -> memref<640x16xf32, #tpu.memory_space<vmem_shared>>
      tpu.enqueue_dma source(%dma_start3A_87 : memref<640x16xf32, #tpu.memory_space<vmem_shared>>) target(%dma_start3A_85 : memref<640x16xf32, #tpu.memory_space<hbm>>) target_semaphore(%run_scoped3A_82 : memref<!tpu.dma_semaphore, #tpu.memory_space<semaphore_mem>>)
      %dma_wait3A_88 = arith.constant 0 : i32
      %dma_wait3A_89 = tpu.memref_slice %arg5[%arg0, %mul3A_81, %dma_wait3A_88] : memref<2x10240x16xf32, #tpu.memory_space<hbm>> -> memref<1x640x16xf32, #tpu.memory_space<hbm>>
      %dma_wait3A_90 = tpu.memref_squeeze %dma_wait3A_89 : memref<1x640x16xf32, #tpu.memory_space<hbm>> -> memref<640x16xf32, #tpu.memory_space<hbm>>
      %dma_wait3A_91 = arith.constant 0 : i32
      %dma_wait3A_92 = tpu.memref_slice %arg11[%mul3A_79, %dma_wait3A_91] : memref<10240x16xf32, #tpu.memory_space<vmem_shared>> -> memref<640x16xf32, #tpu.memory_space<vmem_shared>>
      tpu.wait_dma2 semaphore(%run_scoped3A_82 : memref<!tpu.dma_semaphore, #tpu.memory_space<semaphore_mem>>) src(%dma_wait3A_92 : memref<640x16xf32, #tpu.memory_space<vmem_shared>>) dst(%dma_wait3A_90 : memref<640x16xf32, #tpu.memory_space<hbm>>)
      tpu.yield
    }) : () -> ()
    return
  }
}

module attributes {stable_mosaic.version = 14 : i64} {
  func.func @_mm1_body(%arg0: memref<10000x128xf32, #tpu.memory_space<vmem>>, %arg1: memref<128x16xf32, #tpu.memory_space<vmem>>, %arg2: memref<10000x16xf32, #tpu.memory_space<vmem>>) attributes {dimension_semantics = [], scalar_prefetch = 0 : i64, scratch_operands = 0 : i64, tpu.core_type = #tpu.core_type<tc>} {
    %get3A = arith.constant 0 : index
    %get3A_0 = arith.constant 0 : index
    %get3A_1 = vector.load %arg0[%get3A, %get3A_0] : memref<10000x128xf32, #tpu.memory_space<vmem>>, vector<10000x128xf32>
    %get3A_2 = arith.constant 0 : index
    %get3A_3 = arith.constant 0 : index
    %get3A_4 = vector.load %arg1[%get3A_2, %get3A_3] : memref<128x16xf32, #tpu.memory_space<vmem>>, vector<128x16xf32>
    %dot_general3A = arith.constant dense<0.000000e+00> : vector<10000x16xf32>
    %dot_general3A_5 = tpu.matmul %get3A_1, %get3A_4, %dot_general3A {dimension_numbers = #tpu.dot_dimension_numbers<[1], [0], [0], [1], [0, 0, 1, 1], [], []>, transpose_lhs_hint = false} : vector<10000x128xf32>, vector<128x16xf32>, vector<10000x16xf32> -> vector<10000x16xf32>
    %swap3A = arith.constant 0 : index
    %swap3A_6 = arith.constant 0 : index
    %swap3A_7 = vector.load %arg2[%swap3A, %swap3A_6] : memref<10000x16xf32, #tpu.memory_space<vmem>>, vector<10000x16xf32>
    tpu.vector_store %arg2[%swap3A, %swap3A_6], %dot_general3A_5 {strides = array<i32>} : memref<10000x16xf32, #tpu.memory_space<vmem>>, vector<10000x16xf32>,
    return
  }
}

module attributes {stable_mosaic.version = 14 : i64} {
  func.func @_mid_body(%arg0: memref<2x10240x16xf32, #tpu.memory_space<vmem>>, %arg1: memref<1x16xf32, #tpu.memory_space<vmem>>, %arg2: memref<16x16xf32, #tpu.memory_space<vmem>>, %arg3: memref<10240x16xf32, #tpu.memory_space<vmem>>) attributes {dimension_semantics = [], scalar_prefetch = 0 : i64, scratch_operands = 0 : i64, tpu.core_type = #tpu.core_type<tc>} {
    %get3A = arith.constant 0 : index
    %get3A_0 = arith.constant 0 : index
    %get3A_1 = arith.constant 0 : index
    %get3A_2 = vector.load %arg0[%get3A, %get3A_0, %get3A_1] : memref<2x10240x16xf32, #tpu.memory_space<vmem>>, vector<1x10240x16xf32>
    %get3A_3 = vector.shape_cast %get3A_2 : vector<1x10240x16xf32> to vector<10240x16xf32>
    %get3A_4 = arith.constant 1 : index
    %get3A_5 = arith.constant 0 : index
    %get3A_6 = arith.constant 0 : index
    %get3A_7 = vector.load %arg0[%get3A_4, %get3A_5, %get3A_6] : memref<2x10240x16xf32, #tpu.memory_space<vmem>>, vector<1x10240x16xf32>
    %get3A_8 = vector.shape_cast %get3A_7 : vector<1x10240x16xf32> to vector<10240x16xf32>
    %add3A = arith.addf %get3A_3, %get3A_8 : vector<10240x16xf32>
    %get3A_9 = arith.constant 0 : index
    %get3A_10 = arith.constant 0 : index
    %get3A_11 = vector.load %arg1[%get3A_9, %get3A_10] : memref<1x16xf32, #tpu.memory_space<vmem>>, vector<1x16xf32>
    %add3A_12 = vector.broadcast %get3A_11 : vector<1x16xf32> to vector<10240x16xf32>
    %add3A_13 = arith.addf %add3A, %add3A_12 : vector<10240x16xf32>
    %max3A = arith.constant 0.000000e+00 : f32
    %max3A_14 = vector.broadcast %max3A : f32 to vector<10240x16xf32>
    %max3A_15 = arith.maximumf %add3A_13, %max3A_14 : vector<10240x16xf32>
    %get3A_16 = arith.constant 0 : index
    %get3A_17 = arith.constant 0 : index
    %get3A_18 = vector.load %arg2[%get3A_16, %get3A_17] : memref<16x16xf32, #tpu.memory_space<vmem>>, vector<16x16xf32>
    %dot_general3A = arith.constant dense<0.000000e+00> : vector<10240x16xf32>
    %dot_general3A_19 = tpu.matmul %max3A_15, %get3A_18, %dot_general3A {dimension_numbers = #tpu.dot_dimension_numbers<[1], [0], [0], [1], [0, 0, 1, 1], [], []>, transpose_lhs_hint = false} : vector<10240x16xf32>, vector<16x16xf32>, vector<10240x16xf32> -> vector<10240x16xf32>
    %swap3A = arith.constant 0 : index
    %swap3A_20 = arith.constant 0 : index
    %swap3A_21 = vector.load %arg3[%swap3A, %swap3A_20] : memref<10240x16xf32, #tpu.memory_space<vmem>>, vector<10240x16xf32>
    tpu.vector_store %arg3[%swap3A, %swap3A_20], %dot_general3A_19 {strides = array<i32>} : memref<10240x16xf32, #tpu.memory_space<vmem>>, vector<10240x16xf32>,
    return
  }
}

module attributes {stable_mosaic.version = 14 : i64} {
  func.func @_fin_body(%arg0: memref<2x10240x16xf32, #tpu.memory_space<vmem>>, %arg1: memref<1x10xf32, #tpu.memory_space<vmem>>, %arg2: memref<10000x10xf32, #tpu.memory_space<vmem>>) attributes {dimension_semantics = [], scalar_prefetch = 0 : i64, scratch_operands = 0 : i64, tpu.core_type = #tpu.core_type<tc>} {
    %get3A = arith.constant 0 : index
    %get3A_0 = arith.constant 0 : index
    %get3A_1 = arith.constant 0 : index
    %get3A_2 = vector.load %arg0[%get3A, %get3A_0, %get3A_1] : memref<2x10240x16xf32, #tpu.memory_space<vmem>>, vector<1x10000x10xf32>
    %get3A_3 = vector.shape_cast %get3A_2 : vector<1x10000x10xf32> to vector<10000x10xf32>
    %get3A_4 = arith.constant 1 : index
    %get3A_5 = arith.constant 0 : index
    %get3A_6 = arith.constant 0 : index
    %get3A_7 = vector.load %arg0[%get3A_4, %get3A_5, %get3A_6] : memref<2x10240x16xf32, #tpu.memory_space<vmem>>, vector<1x10000x10xf32>
    %get3A_8 = vector.shape_cast %get3A_7 : vector<1x10000x10xf32> to vector<10000x10xf32>
    %add3A = arith.addf %get3A_3, %get3A_8 : vector<10000x10xf32>
    %get3A_9 = arith.constant 0 : index
    %get3A_10 = arith.constant 0 : index
    %get3A_11 = vector.load %arg1[%get3A_9, %get3A_10] : memref<1x10xf32, #tpu.memory_space<vmem>>, vector<1x10xf32>
    %add3A_12 = vector.broadcast %get3A_11 : vector<1x10xf32> to vector<10000x10xf32>
    %add3A_13 = arith.addf %add3A, %add3A_12 : vector<10000x10xf32>
    %swap3A = arith.constant 0 : index
    %swap3A_14 = arith.constant 0 : index
    %swap3A_15 = vector.load %arg2[%swap3A, %swap3A_14] : memref<10000x10xf32, #tpu.memory_space<vmem>>, vector<10000x10xf32>
    tpu.vector_store %arg2[%swap3A, %swap3A_14], %add3A_13 {strides = array<i32>} : memref<10000x10xf32, #tpu.memory_space<vmem>>, vector<10000x10xf32>,
    return
  }
}

</mosaic_0001>

<sc_bundles>
// kernel: kernel.10.cloned.1.call-start
scs
__scs_entry_jumppad:
0x0: {  	(pc) =	sbr.rel $0x88, $3  }
0x1: {  	(tag) =	ssettag $0x0;
	lr =	simm.s32 $0x1  }
0x2: {  	[smem:$0x3F9B] =	sst lr;
	_ =	strace $0xD0000000  }
0x3: {  	_ = 	snop  }
0x4: {  	_ = 	snop  }
0x5: {  	_ = 	snop  }
0x6: {  	_ = 	snop  }
0x7: {  	_ = 	snop  }
__scs_overlays_trampoline_lowered:
0x8: {  	[smem:$0x3FAA] =	sst s0  }
0x9: {  	[smem:$0x3FAB] =	sst s1  }
0xa: {  	[smem:$0x3FAC] =	sst s2  }
0xb: {  	[smem:$0x3FAD] =	sst s3  }
0xc: {  	[smem:$0x3FAE] =	sst s4  }
0xd: {  	[smem:$0x3FAF] =	sst s5  }
0xe: {  	[smem:$0x3FB0] =	sst s6  }
0xf: {  	[smem:$0x3FB1] =	sst s7  }
0x10: {  	[smem:$0x3FB2] =	sst s8  }
0x11: {  	[smem:$0x3FB3] =	sst s9;
	s0 =	simm.s32 @!p0 $0x0  }
0x12: {  	s1 =	sld [smem:$0x3F99];
	s0 =	simm.s32 @p0 $0x1  }
0x13: {  	[smem:$0x3FB4] =	sst s0;
	s0 =	simm.s32 @!p1 $0x0  }
0x14: {  	s2 =	sld [smem:$0x3F98];
	s0 =	simm.s32 @p1 $0x1  }
0x15: {  	[smem:$0x3FB5] =	sst s0;
	s0 =	simm.s32 @!p2 $0x0  }
0x16: {  	s3 =	sld [smem:$0x3FDB];
	s0 =	simm.s32 @p2 $0x1  }
0x17: {  	s4 =	simm.s32 $0x1BF5;
	[smem:$0x3FB7] =	sst s0  }
0x18: {  	s0 =	sld [smem:$0x3F9A];
	_ =	swait.ge [sflag:s4], $0x0  }
0x19: {  	s7 =	sld [smem:$0x3F9B]  }
0x1a: {  	s8 =	sadd.s32 $0xFFFFE003, lr  }
0x1b: {  	s9 =	sadd.s32 $0xFFFFFEF7, lr;
	s5 =	simm.s32 $0xFFFFFFFF;
	p2 =	slt.u32 s8, $0xFFFFF086  }
0x1c: {  	p1 =	slt.u32 s9, $0xF7A;
	s5 =	simm.s32 @!p2 $0x0  }
0x1d: {  	s5 =	simm.s32 @p1 $0x1;
	p0 =	seq.s32 s7, s2  }
0x1e: {  	s7 =	smul.u32 @!p0 $0xF7A, s2;
	p2 =	seq.s32 @!p0 s5, $0x0  }
0x1f: {  	s9 =	smul.u32 $0xF7A, s1;
	s8 =	simm.s32 @!p0 $0x1BF5;
	p2 =	por !p2, p0  }
0x20: {  	[sflag:s8] =	ssyncset.s32 @!p0 $0xFFFFF086;
	s6 =	sadd.s32 @!p0 s3, s7;
	s7 =	simm.s32 @!p0 $0x108  }
0x21: {  	s3 =	sadd.s32 s3, s9;
	s6 =	sadd.s32 @!p0 $0x88, s6;
	s7 =	simm.s32 @p2 $0x1082  }
0x22: {  	[simem:s7], [sflag:s8] =	dma.local @!p0 [hbm:s6], $0xF7A  }
0x23: {  	s9 =	sor.u32 $0xD0000000, s2;
	s6 =	simm.s32 $0x108;
	_ =	swait.ge @!p0 [sflag:s8], $0x0  }
0x24: {  	s3 =	sadd.s32 $0x88, s3;
	s6 =	simm.s32 @!p1 $0x1082;
	[sflag:s4] =	ssyncset.s32 $0xFFFFF086  }
0x25: {  	[simem:s6], [sflag:s4] =	dma.local [hbm:s3], $0xF7A  }
0x26: {  	[smem:$0x3F9B] =	sst s1;
	(tag) =	ssettag s2;
	_ =	strace s9  }
0x27: {  	s1 =	sld [smem:$0x3FAB]  }
0x28: {  	s2 =	sld [smem:$0x3FAC]  }
0x29: {  	s4 =	sld [smem:$0x3FAE]  }
0x2a: {  	p0 =	seq.s32 s5, $0x0;
	s5 =	sld [smem:$0x3FAF]  }
0x2b: {  	s6 =	sld [smem:$0x3FB0]  }
0x2c: {  	s7 =	sld [smem:$0x3FB1]  }
0x2d: {  	s3 =	simm.s32 $0x108;
	s8 =	sld [smem:$0x3FB2]  }
0x2e: {  	s3 =	simm.s32 @!p0 $0x1082;
	s9 =	sld [smem:$0x3FB3]  }
0x2f: {  	lr =	sadd.s32 s0, s3;
	s0 =	sld [smem:$0x3FAA]  }
0x30: {  	s3 =	sld [smem:$0x3FAD]  }
0x31: {  	[smem:$0x3FB6] =	sst s10  }
0x32: {  	s10 =	sld [smem:$0x3FB4];
	_ =	sdelay $0x3  }
0x33: {  	p0 =	seq.s32 s10, $0x1;
	s10 =	sld [smem:$0x3FB6];
	_ =	sdelay $0x3  }
0x34: {  	[smem:$0x3FB6] =	sst s10  }
0x35: {  	s10 =	sld [smem:$0x3FB5];
	_ =	sdelay $0x3  }
0x36: {  	p1 =	seq.s32 s10, $0x1;
	s10 =	sld [smem:$0x3FB6];
	_ =	sdelay $0x3  }
0x37: {  	[smem:$0x3FB6] =	sst s10  }
0x38: {  	s10 =	sld [smem:$0x3FB7]  }
0x39: {  	_ = 	snop;
	(pc) =	sbr.ind lr, $3  }
0x3a: {  	_ = 	snop  }
0x3b: {  	_ = 	snop  }
0x3c: {  	p2 =	seq.s32 s10, $0x1;
	s10 =	sld [smem:$0x3FB6]  }
0x3d: {  	_ =	shalt  }
0x3e: {  	_ =	shalt  }
0x3f: {  	_ =	shalt  }
0x40: {  	_ =	shalt  }
0x41: {  	_ =	shalt  }
0x42: {  	_ =	shalt  }
0x43: {  	_ =	shalt  }
0x44: {  	_ =	shalt  }
0x45: {  	_ =	shalt  }
0x46: {  	_ =	shalt  }
0x47: {  	_ =	shalt  }
0x48: {  	_ =	shalt  }
0x49: {  	_ =	shalt  }
0x4a: {  	_ =	shalt  }
0x4b: {  	_ =	shalt  }
0x4c: {  	_ =	shalt  }
0x4d: {  	_ =	shalt  }
0x4e: {  	_ =	shalt  }
0x4f: {  	_ =	shalt  }
0x50: {  	_ =	shalt  }
0x51: {  	_ =	shalt  }
0x52: {  	_ =	shalt  }
0x53: {  	_ =	shalt  }
0x54: {  	_ =	shalt  }
0x55: {  	_ =	shalt  }
0x56: {  	_ =	shalt  }
0x57: {  	_ =	shalt  }
0x58: {  	_ =	shalt  }
0x59: {  	_ =	shalt  }
0x5a: {  	_ =	shalt  }
0x5b: {  	_ =	shalt  }
0x5c: {  	_ =	shalt  }
0x5d: {  	_ =	shalt  }
0x5e: {  	_ =	shalt  }
0x5f: {  	_ =	shalt  }
0x60: {  	_ =	shalt  }
0x61: {  	_ =	shalt  }
0x62: {  	_ =	shalt  }
0x63: {  	_ =	shalt  }
0x64: {  	_ =	shalt  }
0x65: {  	_ =	shalt  }
0x66: {  	_ =	shalt  }
0x67: {  	_ =	shalt  }
0x68: {  	_ =	shalt  }
0x69: {  	_ =	shalt  }
0x6a: {  	_ =	shalt  }
0x6b: {  	_ =	shalt  }
0x6c: {  	_ =	shalt  }
0x6d: {  	_ =	shalt  }
0x6e: {  	_ =	shalt  }
0x6f: {  	_ =	shalt  }
0x70: {  	_ =	shalt  }
0x71: {  	_ =	shalt  }
0x72: {  	_ =	shalt  }
0x73: {  	_ =	shalt  }
0x74: {  	_ =	shalt  }
0x75: {  	_ =	shalt  }
0x76: {  	_ =	shalt  }
0x77: {  	_ =	shalt  }
0x78: {  	_ =	shalt  }
0x79: {  	_ =	shalt  }
0x7a: {  	_ =	shalt  }
0x7b: {  	_ =	shalt  }
0x7c: {  	_ =	shalt  }
0x7d: {  	_ =	shalt  }
0x7e: {  	_ =	shalt  }
0x7f: {  	_ =	shalt  }
0x80: {  	_ =	shalt  }
0x81: {  	_ =	shalt  }
0x82: {  	_ =	shalt  }
0x83: {  	_ =	shalt  }
0x84: {  	_ =	shalt  }
0x85: {  	_ =	shalt  }
0x86: {  	_ =	shalt  }
0x87: {  	_ =	shalt  }
.Lfunc_end0:
.L_simem_size_0:
called_computation.1_lowered:
.L_overlay_start_0:
0x88: {  	s2 =	sld [smem:$0x3FD9]  }
0x89: {  	s3 =	sld [smem:$0x3FFE];
	_ =	sdelay $0x1  }
0x8a: {  	s1 =	srdreg.scid  }
0x8b: {  	s0 =	sand.u32 $0x1, s1  }
0x8c: {  	s16 =	sshll.u32 s0, $0xA;
	s2 =	sadd.s32 s3, s2  }
0x8d: {  	s2 =	sadd.s32 s2, s16  }
0x8e: {  	[smem:$0x3FC2] =	sst s2  }
0x8f: {  	_ = 	snop  }
0x90: {  	(tm) =	ssettm $0x1  }
0x91: {  	s17 =	sld [smem:$0x3FFB];
	_ =	sdelay $0x3  }
0x92: {  	_ =	strace s17  }
0x93: {  	s2 =	sld [smem:$0x3FFC];
	_ =	sdelay $0x3  }
0x94: {  	_ =	strace s2  }
0x95: {  	s2 =	sld [smem:$0x3FFD];
	_ =	sdelay $0x3  }
0x96: {  	_ =	strace s2  }
0x97: {  	_ =	strace $0x8FFFFFFF  }
0x98: {  	s18 =	sld [smem:$0x3FDB];
	_ =	sdelay $0x1  }
0x99: {  	s19 =	simm.s32 $_scs_section_size  }
0x9a: {  	s4 =	simm.s32 $_size__tile_overlayer_lowered;
	s5 =	simm.s32 $_tile_overlayer_lowered  }
0x9b: {  	s22 =	simm.s32 $0x1BFF;
	s21 =	sshll.u32 s5, $0x1;
	s2 =	sadd.s32 s19, s18  }
0x9c: {  	s6 =	simm.s32 $0x0;
	s20 =	sshll.u32 s4, $0x1;
	s4 =	sadd.s32 s21, s2  }
0x9d: {  	[timem:s6], [sflag:s22] =	dma.local [hbm:s4], s20  }
0x9e: {  	_ =	swait.ge [sflag:s22], s20  }
0x9f: {  	s3 =	ssub.s32 $0x0, s20;
	[sflag:s22] =	ssyncset.done $0x0  }
0xa0: {  	[sflag:s22] =	ssyncadd.s32 s3;
	_ =	sdelay $0x1  }
0xa1: {  	s23 =	simm.s32 $0x1B8B  }
0xa2: {  	_ =	swait.ge [sflag:s23], $0x1  }
0xa3: {  	[sflag:s23] =	ssyncset.done $0x0  }
0xa4: {  	s25 =	simm.s32 $0x1B8E;
	s24 =	sld [smem:$0x3FFE];
	[sflag:s23] =	ssyncadd.s32 $0xFFFFFFFF  }
0xa5: {  	s26 =	simm.s32 $execute0_lowered;
	[smem:$0x3FD2] =	sst s25  }
0xa6: {  	s4 =	sshll.u32 s26, $0x1;
	_ =	strace $0x80000049;
	[dreg:$0x1] =	wrdreg $0xFFFFFFFF  }
0xa7: {  	s28 =	simm.s32 $_size_execute0_lowered;
	s2 =	sadd.s32 s2, s4;
	[dreg:$0x0] =	wrdreg $0x0  }
0xa8: {  	s4 =	sshll.u32 s28, $0x1;
	[dreg:$0x2] =	wrdreg s2  }
0xa9: {  	[dreg:$0x3] =	wrdreg s4  }
0xaa: {  	[dreg:$0x4] =	wrdreg $0xC0  }
0xab: {  	_ =	task [dreg:s6], $0x5FFFF  }
0xac: {  	[dreg:$0x1] =	wrdreg $0xFFFFFFFF  }
0xad: {  	[dreg:$0x0] =	wrdreg $0x60  }
0xae: {  	[dreg:$0x2] =	wrdreg s24  }
0xaf: {  	[dreg:$0x3] =	wrdreg $0x64000  }
0xb0: {  	[dreg:$0x4] =	wrdreg $0x9  }
0xb1: {  	_ =	task.clear_ibuf [dreg:s6], $0x5FFFF;
	_ =	strace $0x90000049  }
0xb2: {  	s29 =	simm.s32 $0x9;
	_ =	strace $0x8000004B  }
0xb3: {  	_ =	swait.ge [sflag:s29], $0x1  }
0xb4: {  	[sflag:s29] =	ssyncadd.s32 $0xFFFFFFFF  }
0xb5: {  	_ =	strace $0x9000004B  }
0xb6: {  	_ =	sfence  }
0xb7: {  	s30 =	sld [smem:$0x0];
	_ =	sdelay $0x2  }
0xb8: {  	s31 =	sshll.u32 s1, $0xD;
	s1 =	sshrl.u32 s1, $0x2  }
0xb9: {  	s3 =	sand.u32 $0x4000, s31;
	s1 =	sadd.s32 s1, s30  }
0xba: {  	s0 =	sor.u32 s3, s0;
	s1 =	sshll.u32 s1, $0x11  }
0xbb: {  	s0 =	sor.u32 s1, s0  }
0xbc: {  	s0 =	sadd.s32 $0x8F2B, s0  }
0xbd: {  	[sflag:s0] =	ssyncadd.remote.s32 $0x1  }
0xbe: {  	_ =	sfence.sel $0xFFFF  }
0xbf: {  	[dreg:$0x0] =	wrdreg $0xFFFFFFFF;
	(pc) =	sbr.abs _section_cstart, $3  }
0xc0: {  	[dreg:$0x1] =	wrdreg $0xFFFFFFFF  }
0xc1: {  	_ =	task.clear_ibuf [dreg:s6], $0x2FFFF;
	_ =	strace $0x9FFFFFFF  }
0xc2: {  	(tm) =	ssettm $0x7FFFFFFF  }
0xc3: {  	_ =	shalt  }
tec
execute0_lowered:
.L_overlay_start_1:
0x0: {  	(tag) =	ssettag $0x1  }
0x1: {  	s0 =	rddreg [dreg:$0x0]  }
0x2: {  	s1 =	rddreg [dreg:$0x1];
	s2 =	srdreg.scid  }
0x3: {  	s4 =	simm.s32 $0x0;
	s3 =	stileid.u32;
	s20 =	simm.s32 $0x6000  }
0x4: {  	s21 =	simm.s32 $0x4;
	s22 =	simm.s32 $0x3;
	s23 =	simm.s32 $0x80  }
0x5: {  	s24 =	simm.s32 $0x5000;
	s26 =	simm.s32 $0x5800;
	s28 =	simm.s32 $0x1  }
0x6: {  	s29 =	simm.s32 $0x2;
	s2 =	sand.u32 $0x1, s2;
	s9 =	smul.u32 $0x2800, s3  }
0x7: {  	[smem:$0x7FF] =	sst s4;
	s4 =	sadd.s32 $0x14800, s0;
	s8 =	smul.u32 $0xA000, s3  }
0x8: {  	s5 =	smul.u32 $0x28000, s2;
	s6 =	sshll.u32 s2, $0x4;
	s2 =	ssub.s32 $0x2, s2  }
0x9: {  	_ =	strace $0x8000004A;
	s6 =	sor.u32 s3, s6;
	s7 =	sshrl.u32 s2, $0x1  }
0xa: {  	s30 =	sshrl.u32 s8, $0x2;
	s31 =	sadd.s32 s9, s1;
	s6 =	smul.u32 $0x500, s6  }
0xb: {  	s5 =	sadd.s32 s9, s5;
	s2 =	ssub.s32 s2, s7;
	s7 =	sadd.s32 s30, s1  }
0xc: {  	s25 =	sshrl.u32 s31, $0x3;
	s5 =	sshrl.u32 s5, $0x3;
	s9 =	smax.u32 s2, $0x1  }
0xd: {  	s10 =	sadd.s32 $0x400, s7;
	s11 =	sadd.s32 $0x800, s7;
	s12 =	sadd.s32 $0xC00, s7  }
0xe: {  	s13 =	sadd.s32 $0x1000, s7;
	s14 =	sadd.s32 $0x1400, s7;
	s15 =	sadd.s32 $0x1800, s7  }
0xf: {  	s16 =	sadd.s32 $0x1C00, s7;
	s17 =	sadd.s32 $0x2000, s7;
	s18 =	sadd.s32 $0x2400, s7  }
0x10: {  	s2 =	simm.s32 $0x0;
	s6 =	sadd.s32 s6, s0;
	s0 =	sadd.s32 s5, s0  }
0x11: {  	v0 =	vimm.f32 $0.0e+00;
	s5 =	sadd.s32 $0xA800, s6;
	s6 =	sadd.s32 $0x800, s6;
	s8 =	sadd.s32 $0x19800, s0  }
.LBB2_1:
0x12: {  	s0 =	simm.s32 $0x0  }
0x13: {  	[tilespmem:s0], [sflag:$0x3] =	stream.linear.gather [hbm4b:s5+s0], $0x2800, $0x38;
	[tilespmem:$0x8C00] =	vst v63  }
0x14: {  	s3 =	simm.s32 $0x2800;
	s19 =	simm.s32 $0x40;
	s30 =	simm.s32 $0x0  }
0x15: {  	[tilespmem:s3], [sflag:$0x3] =	stream.linear.gather [hbm4b:s6+s0], $0x2800, $0x38;
	[tilespmem:$0x8C00] =	vst v63  }
.LBB2_2:
0x16: {  	p0 =	sne.s32 s19, $0xFC0;
	[tilespmem:s30+$0x6000] =	vst v0;
	s30 =	smov.u32 s19;
	s19 =	sadd.s32 $0x40, s19  }
.Ltmp0:
0x17: {  	(pc) =	sbr.rel @p0 .LBB2_2-.Ltmp0, $2  }
0x18: {  	_ =	sdelay $0x2  }
0x19: {  	s30 =	sshra.s32 s30, $0x2  }
0x1a: {  	[tilespmem:s30+$0x6000] =	vst v0  }
0x1b: {  	[spmem:s7] =	stream.linear.scatter [tilespmem:s20], [sflag:$0x4], $0x400, $0x38;
	[tilespmem:$0x8C00] =	vst v63  }
0x1c: {  	_ =	swait.ge [sflag:s21], $0x400  }
0x1d: {  	[sflag:s21] =	ssyncset.done $0x0  }
0x1e: {  	[sflag:s21] =	ssyncadd.s32 $0xFFFFFC00  }
0x1f: {  	[spmem:s10] =	stream.linear.scatter [tilespmem:s20], [sflag:$0x4], $0x400, $0x38;
	[tilespmem:$0x8C00] =	vst v63  }
0x20: {  	_ =	swait.ge [sflag:s21], $0x400  }
0x21: {  	[sflag:s21] =	ssyncset.done $0x0  }
0x22: {  	[sflag:s21] =	ssyncadd.s32 $0xFFFFFC00  }
0x23: {  	[spmem:s11] =	stream.linear.scatter [tilespmem:s20], [sflag:$0x4], $0x400, $0x38;
	[tilespmem:$0x8C00] =	vst v63  }
0x24: {  	_ =	swait.ge [sflag:s21], $0x400  }
0x25: {  	[sflag:s21] =	ssyncset.done $0x0  }
0x26: {  	[sflag:s21] =	ssyncadd.s32 $0xFFFFFC00  }
0x27: {  	[spmem:s12] =	stream.linear.scatter [tilespmem:s20], [sflag:$0x4], $0x400, $0x38;
	[tilespmem:$0x8C00] =	vst v63  }
0x28: {  	_ =	swait.ge [sflag:s21], $0x400  }
0x29: {  	[sflag:s21] =	ssyncset.done $0x0  }
0x2a: {  	[sflag:s21] =	ssyncadd.s32 $0xFFFFFC00  }
0x2b: {  	[spmem:s13] =	stream.linear.scatter [tilespmem:s20], [sflag:$0x4], $0x400, $0x38;
	[tilespmem:$0x8C00] =	vst v63  }
0x2c: {  	_ =	swait.ge [sflag:s21], $0x400  }
0x2d: {  	[sflag:s21] =	ssyncset.done $0x0  }
0x2e: {  	[sflag:s21] =	ssyncadd.s32 $0xFFFFFC00  }
0x2f: {  	[spmem:s14] =	stream.linear.scatter [tilespmem:s20], [sflag:$0x4], $0x400, $0x38;
	[tilespmem:$0x8C00] =	vst v63  }
0x30: {  	_ =	swait.ge [sflag:s21], $0x400  }
0x31: {  	[sflag:s21] =	ssyncset.done $0x0  }
0x32: {  	[sflag:s21] =	ssyncadd.s32 $0xFFFFFC00  }
0x33: {  	[spmem:s15] =	stream.linear.scatter [tilespmem:s20], [sflag:$0x4], $0x400, $0x38;
	[tilespmem:$0x8C00] =	vst v63  }
0x34: {  	_ =	swait.ge [sflag:s21], $0x400  }
0x35: {  	[sflag:s21] =	ssyncset.done $0x0  }
0x36: {  	[sflag:s21] =	ssyncadd.s32 $0xFFFFFC00  }
0x37: {  	[spmem:s16] =	stream.linear.scatter [tilespmem:s20], [sflag:$0x4], $0x400, $0x38;
	[tilespmem:$0x8C00] =	vst v63  }
0x38: {  	_ =	swait.ge [sflag:s21], $0x400  }
0x39: {  	[sflag:s21] =	ssyncset.done $0x0  }
0x3a: {  	[sflag:s21] =	ssyncadd.s32 $0xFFFFFC00  }
0x3b: {  	[spmem:s17] =	stream.linear.scatter [tilespmem:s20], [sflag:$0x4], $0x400, $0x38;
	[tilespmem:$0x8C00] =	vst v63  }
0x3c: {  	_ =	swait.ge [sflag:s21], $0x400  }
0x3d: {  	[sflag:s21] =	ssyncset.done $0x0  }
0x3e: {  	[sflag:s21] =	ssyncadd.s32 $0xFFFFFC00  }
0x3f: {  	[spmem:s18] =	stream.linear.scatter [tilespmem:s20], [sflag:$0x4], $0x400, $0x38;
	[tilespmem:$0x8C00] =	vst v63  }
0x40: {  	_ =	swait.ge [sflag:s21], $0x400  }
0x41: {  	[sflag:s21] =	ssyncset.done $0x0  }
0x42: {  	[sflag:s21] =	ssyncadd.s32 $0xFFFFFC00  }
0x43: {  	_ =	swait.ge [sflag:s22], $0x2800  }
0x44: {  	[sflag:s22] =	ssyncset.done $0x0  }
0x45: {  	[sflag:s22] =	ssyncadd.s32 $0xFFFFD800  }
0x46: {  	_ =	swait.ge [sflag:s22], $0x2800  }
0x47: {  	[sflag:s22] =	ssyncset.done $0x0  }
0x48: {  	[sflag:s22] =	ssyncadd.s32 $0xFFFFD800  }
0x49: {  	s19 =	simm.s32 $0x0;
	[bflag:$0x0] =	sbarrier.arrive $0xFFFF  }
0x4a: {  	[tilespmem:s24], [sflag:$0x1] =	stream.indirect.gather [hbm4b:s4+s23], $0x10, s19, s23, $0xb8;
	[tilespmem:$0x8C00] =	vst v63  }
0x4b: {  	s31 =	simm.s32 $0x80  }
0x4c: {  	[tilespmem:s26], [sflag:$0x2] =	stream.indirect.gather [hbm4b:s4+s23], $0x10, s31, s23, $0xb8;
	[tilespmem:$0x8C00] =	vst v63  }
0x4d: {  	_ =	swait.ge [sflag:s28], $0x800  }
0x4e: {  	[sflag:s28] =	ssyncset.done $0x0  }
0x4f: {  	s0 =	simm.s32 $0x2800;
	[sflag:s28] =	ssyncadd.s32 $0xFFFFF800  }
0x50: {  	[spmem:s1] =	stream.indirect.scatter.add.f32 [tilespmem:s24], [sflag:$0x4], $0x10, s0, s23, $0xb8;
	[tilespmem:$0x8C00] =	vst v63  }
0x51: {  	_ =	swait.ge [sflag:s21], $0x800  }
0x52: {  	[sflag:s21] =	ssyncset.done $0x0  }
0x53: {  	s3 =	simm.s32 $0x100;
	[sflag:s21] =	ssyncadd.s32 $0xFFFFF800  }
0x54: {  	[tilespmem:s24], [sflag:$0x1] =	stream.indirect.gather [hbm4b:s4+s23], $0x10, s3, s23, $0xb8;
	[tilespmem:$0x8C00] =	vst v63  }
0x55: {  	_ =	swait.ge [sflag:s29], $0x800  }
0x56: {  	[sflag:s29] =	ssyncset.done $0x0  }
0x57: {  	s31 =	simm.s32 $0x2880;
	[sflag:s29] =	ssyncadd.s32 $0xFFFFF800  }
0x58: {  	[spmem:s1] =	stream.indirect.scatter.add.f32 [tilespmem:s26], [sflag:$0x4], $0x10, s31, s23, $0xb8;
	[tilespmem:$0x8C00] =	vst v63  }
0x59: {  	_ =	swait.ge [sflag:s21], $0x800  }
0x5a: {  	s30 =	simm.s32 $0x800;
	s19 =	simm.s32 $0x100;
	[sflag:s21] =	ssyncset.done $0x0  }
.LBB2_4:
0x5b: {  	s31 =	sadd.s32 $0x80, s19  }
0x5c: {  	[sflag:s21] =	ssyncadd.s32 $0xFFFFF800;
	s0 =	smov.u32 s30;
	s3 =	sadd.s32 $0x400, s30  }
0x5d: {  	[tilespmem:s26], [sflag:$0x2] =	stream.indirect.gather [hbm4b:s4+s23], $0x10, s31, s23, $0xb8;
	[tilespmem:$0x8C00] =	vst v63  }
0x5e: {  	p0 =	sne.s32 s30, $0x9800;
	_ =	swait.ge [sflag:s28], $0x800  }
0x5f: {  	[sflag:s28] =	ssyncset.done $0x0  }
0x60: {  	s30 =	sadd.s32 $0x2800, s19;
	[sflag:s28] =	ssyncadd.s32 $0xFFFFF800  }
0x61: {  	[spmem:s1] =	stream.indirect.scatter.add.f32 [tilespmem:s24], [sflag:$0x4], $0x10, s30, s23, $0xb8;
	[tilespmem:$0x8C00] =	vst v63  }
0x62: {  	_ =	swait.ge [sflag:s21], $0x800  }
0x63: {  	[sflag:s21] =	ssyncset.done $0x0  }
0x64: {  	s30 =	sadd.s32 $0x100, s19;
	[sflag:s21] =	ssyncadd.s32 $0xFFFFF800  }
0x65: {  	[tilespmem:s24], [sflag:$0x1] =	stream.indirect.gather [hbm4b:s4+s23], $0x10, s30, s23, $0xb8;
	[tilespmem:$0x8C00] =	vst v63  }
0x66: {  	_ =	swait.ge [sflag:s29], $0x800  }
.Ltmp1:
0x67: {  	[sflag:s29] =	ssyncset.done $0x0;
	(pc) =	sbr.rel @p0 .LBB2_4-.Ltmp1, $4  }
0x68: {  	s19 =	sadd.s32 $0x2880, s19;
	[sflag:s29] =	ssyncadd.s32 $0xFFFFF800  }
0x69: {  	[spmem:s1] =	stream.indirect.scatter.add.f32 [tilespmem:s26], [sflag:$0x4], $0x10, s19, s23, $0xb8;
	[tilespmem:$0x8C00] =	vst v63  }
0x6a: {  	_ =	swait.ge [sflag:s21], $0x800  }
0x6b: {  	s30 =	smov.u32 s3;
	s19 =	sshra.s32 s0, $0x2;
	[sflag:s21] =	ssyncset.done $0x0  }
0x6c: {  	s0 =	sadd.s32 $0x80, s19;
	[sflag:s21] =	ssyncadd.s32 $0xFFFFF800  }
0x6d: {  	[tilespmem:s26], [sflag:$0x2] =	stream.indirect.gather [hbm4b:s4+s23], $0x10, s0, s23, $0xb8;
	[tilespmem:$0x8C00] =	vst v63  }
0x6e: {  	_ =	swait.ge [sflag:s28], $0x800  }
0x6f: {  	[sflag:s28] =	ssyncset.done $0x0  }
0x70: {  	s3 =	sadd.s32 $0x2800, s19;
	[sflag:s28] =	ssyncadd.s32 $0xFFFFF800  }
0x71: {  	[spmem:s1] =	stream.indirect.scatter.add.f32 [tilespmem:s24], [sflag:$0x4], $0x10, s3, s23, $0xb8;
	[tilespmem:$0x8C00] =	vst v63  }
0x72: {  	_ =	swait.ge [sflag:s21], $0x800  }
0x73: {  	[sflag:s21] =	ssyncset.done $0x0  }
0x74: {  	s30 =	sadd.s32 $0x100, s19;
	[sflag:s21] =	ssyncadd.s32 $0xFFFFF800  }
0x75: {  	[tilespmem:s24], [sflag:$0x1] =	stream.indirect.gather [hbm4b:s4+s23], $0x10, s30, s23, $0xb8;
	[tilespmem:$0x8C00] =	vst v63  }
0x76: {  	_ =	swait.ge [sflag:s29], $0x800  }
0x77: {  	[sflag:s29] =	ssyncset.done $0x0  }
0x78: {  	s31 =	sadd.s32 $0x2880, s19;
	[sflag:s29] =	ssyncadd.s32 $0xFFFFF800  }
0x79: {  	[spmem:s1] =	stream.indirect.scatter.add.f32 [tilespmem:s26], [sflag:$0x4], $0x10, s31, s23, $0xb8;
	[tilespmem:$0x8C00] =	vst v63  }
0x7a: {  	_ =	swait.ge [sflag:s21], $0x800  }
0x7b: {  	[sflag:s21] =	ssyncset.done $0x0  }
0x7c: {  	s3 =	simm.s32 $0x2780;
	[sflag:s21] =	ssyncadd.s32 $0xFFFFF800  }
0x7d: {  	[tilespmem:s26], [sflag:$0x2] =	stream.indirect.gather [hbm4b:s4+s23], $0x10, s3, s23, $0xb8;
	[tilespmem:$0x8C00] =	vst v63  }
0x7e: {  	_ =	swait.ge [sflag:s28], $0x800  }
0x7f: {  	[sflag:s28] =	ssyncset.done $0x0  }
0x80: {  	s19 =	simm.s32 $0x4F00;
	[sflag:s28] =	ssyncadd.s32 $0xFFFFF800  }
0x81: {  	[spmem:s1] =	stream.indirect.scatter.add.f32 [tilespmem:s24], [sflag:$0x4], $0x10, s19, s23, $0xb8;
	[tilespmem:$0x8C00] =	vst v63  }
0x82: {  	_ =	swait.ge [sflag:s21], $0x800  }
0x83: {  	[sflag:s21] =	ssyncset.done $0x0  }
0x84: {  	[sflag:s21] =	ssyncadd.s32 $0xFFFFF800  }
0x85: {  	_ =	swait.ge [sflag:s29], $0x800  }
0x86: {  	[sflag:s29] =	ssyncset.done $0x0  }
0x87: {  	s30 =	simm.s32 $0x4F80;
	[sflag:s29] =	ssyncadd.s32 $0xFFFFF800  }
0x88: {  	[spmem:s1] =	stream.indirect.scatter.add.f32 [tilespmem:s26], [sflag:$0x4], $0x10, s30, s23, $0xb8;
	[tilespmem:$0x8C00] =	vst v63  }
0x89: {  	_ =	swait.ge [sflag:s21], $0x800  }
0x8a: {  	s2 =	sadd.s32 $0x1, s2;
	s31 =	stileid.u32;
	[sflag:s21] =	ssyncset.done $0x0  }
0x8b: {  	p0 =	sne.s32 s2, s9;
	s0 =	sshll.u32 s31, $0x6;
	[sflag:s21] =	ssyncadd.s32 $0xFFFFF800  }
.Ltmp2:
0x8c: {  	s0 =	sor.u32 $0x1C04, s0;
	[bflag:$0x0] =	sbarrier.arrive $0xFFFF;
	(pc) =	sbr.rel @p0 .LBB2_1-.Ltmp2, $4  }
0x8d: {  	[hbm:s8], [sflag:s0] =	dma.local [spmem:s25], $0x500  }
0x8e: {  	_ =	swait.ge [sflag:s21], $0x500  }
0x8f: {  	[sflag:s21] =	ssyncset.done $0x0  }
0x90: {  	[sflag:s21] =	ssyncadd.s32 $0xFFFFFB00  }
0x91: {  	_ =	sfence.sel $0x180000  }
0x92: {  	[bflag:$0x0] =	sbarrier.arrive $0xFFFF  }
0x93: {  	_ =	strace $0x9000004A  }
0x94: {  	s0 =	stileid.u32;
	[bflag:$0x2] =	sbarrier.arrive $0xFFFF  }
0x95: {  	p0 =	sne.s32 s0, $0x0;
	s0 =	rddreg [dreg:$0x2]  }
0x96: {  	s0 =	sadd.s32 @!p0 $0x100000, s0  }
0x97: {  	[sflag:s0] =	ssyncadd.tile.s32 @!p0 $0x1;
	_ =	shalt  }
.Lfunc_end2:
_tile_overlayer_lowered:
.L_overlay_start_2:
0x98: {  	(tag) =	ssettag $0x2  }
0x99: {  	s0 =	rddreg [dreg:$0x0];
	s2 =	stileid.u32  }
0x9a: {  	s1 =	rddreg [dreg:$0x1];
	p0 =	sne.s32 s2, $0x0  }
0x9b: {  	s3 =	rddreg [dreg:$0x2];
	[bflag:$0x3] =	sbarrier.arrive $0xFFFF;
	s2 =	simm.s32 @!p0 $0x1C04  }
0x9c: {  	[timem:s3], [sflag:s2] =	dma.local @!p0 [hbm:s0], s1  }
0x9d: {  	s0 =	simm.s32 @!p0 $0x4  }
0x9e: {  	_ =	swait.ge @!p0 [sflag:s0], s1  }
0x9f: {  	s1 =	ssub.s32 @!p0 $0x0, s1;
	[sflag:s0] =	ssyncset.done @!p0 $0x0  }
0xa0: {  	[sflag:s0] =	ssyncadd.s32 @!p0 s1  }
0xa1: {  	[bflag:$0x3] =	sbarrier.arrive $0xFFFF  }
0xa2: {  	_ =	shalt  }

// kernel: kernel.7.cloned.1.call-start
scs
__scs_entry_jumppad:
0x0: {  	(pc) =	sbr.rel $0x88, $3  }
0x1: {  	(tag) =	ssettag $0x0;
	lr =	simm.s32 $0x1  }
0x2: {  	[smem:$0x3F9B] =	sst lr;
	_ =	strace $0xD0000000  }
0x3: {  	_ = 	snop  }
0x4: {  	_ = 	snop  }
0x5: {  	_ = 	snop  }
0x6: {  	_ = 	snop  }
0x7: {  	_ = 	snop  }
__scs_overlays_trampoline_lowered:
0x8: {  	[smem:$0x3FAA] =	sst s0  }
0x9: {  	[smem:$0x3FAB] =	sst s1  }
0xa: {  	[smem:$0x3FAC] =	sst s2  }
0xb: {  	[smem:$0x3FAD] =	sst s3  }
0xc: {  	[smem:$0x3FAE] =	sst s4  }
0xd: {  	[smem:$0x3FAF] =	sst s5  }
0xe: {  	[smem:$0x3FB0] =	sst s6  }
0xf: {  	[smem:$0x3FB1] =	sst s7  }
0x10: {  	[smem:$0x3FB2] =	sst s8  }
0x11: {  	[smem:$0x3FB3] =	sst s9;
	s0 =	simm.s32 @!p0 $0x0  }
0x12: {  	s1 =	sld [smem:$0x3F99];
	s0 =	simm.s32 @p0 $0x1  }
0x13: {  	[smem:$0x3FB4] =	sst s0;
	s0 =	simm.s32 @!p1 $0x0  }
0x14: {  	s2 =	sld [smem:$0x3F98];
	s0 =	simm.s32 @p1 $0x1  }
0x15: {  	[smem:$0x3FB5] =	sst s0;
	s0 =	simm.s32 @!p2 $0x0  }
0x16: {  	s3 =	sld [smem:$0x3FDB];
	s0 =	simm.s32 @p2 $0x1  }
0x17: {  	s4 =	simm.s32 $0x1BF5;
	[smem:$0x3FB7] =	sst s0  }
0x18: {  	s0 =	sld [smem:$0x3F9A];
	_ =	swait.ge [sflag:s4], $0x0  }
0x19: {  	s7 =	sld [smem:$0x3F9B]  }
0x1a: {  	s8 =	sadd.s32 $0xFFFFE003, lr  }
0x1b: {  	s9 =	sadd.s32 $0xFFFFFEF7, lr;
	s5 =	simm.s32 $0xFFFFFFFF;
	p2 =	slt.u32 s8, $0xFFFFF086  }
0x1c: {  	p1 =	slt.u32 s9, $0xF7A;
	s5 =	simm.s32 @!p2 $0x0  }
0x1d: {  	s5 =	simm.s32 @p1 $0x1;
	p0 =	seq.s32 s7, s2  }
0x1e: {  	s7 =	smul.u32 @!p0 $0xF7A, s2;
	p2 =	seq.s32 @!p0 s5, $0x0  }
0x1f: {  	s9 =	smul.u32 $0xF7A, s1;
	s8 =	simm.s32 @!p0 $0x1BF5;
	p2 =	por !p2, p0  }
0x20: {  	[sflag:s8] =	ssyncset.s32 @!p0 $0xFFFFF086;
	s6 =	sadd.s32 @!p0 s3, s7;
	s7 =	simm.s32 @!p0 $0x108  }
0x21: {  	s3 =	sadd.s32 s3, s9;
	s6 =	sadd.s32 @!p0 $0x88, s6;
	s7 =	simm.s32 @p2 $0x1082  }
0x22: {  	[simem:s7], [sflag:s8] =	dma.local @!p0 [hbm:s6], $0xF7A  }
0x23: {  	s9 =	sor.u32 $0xD0000000, s2;
	s6 =	simm.s32 $0x108;
	_ =	swait.ge @!p0 [sflag:s8], $0x0  }
0x24: {  	s3 =	sadd.s32 $0x88, s3;
	s6 =	simm.s32 @!p1 $0x1082;
	[sflag:s4] =	ssyncset.s32 $0xFFFFF086  }
0x25: {  	[simem:s6], [sflag:s4] =	dma.local [hbm:s3], $0xF7A  }
0x26: {  	[smem:$0x3F9B] =	sst s1;
	(tag) =	ssettag s2;
	_ =	strace s9  }
0x27: {  	s1 =	sld [smem:$0x3FAB]  }
0x28: {  	s2 =	sld [smem:$0x3FAC]  }
0x29: {  	s4 =	sld [smem:$0x3FAE]  }
0x2a: {  	p0 =	seq.s32 s5, $0x0;
	s5 =	sld [smem:$0x3FAF]  }
0x2b: {  	s6 =	sld [smem:$0x3FB0]  }
0x2c: {  	s7 =	sld [smem:$0x3FB1]  }
0x2d: {  	s3 =	simm.s32 $0x108;
	s8 =	sld [smem:$0x3FB2]  }
0x2e: {  	s3 =	simm.s32 @!p0 $0x1082;
	s9 =	sld [smem:$0x3FB3]  }
0x2f: {  	lr =	sadd.s32 s0, s3;
	s0 =	sld [smem:$0x3FAA]  }
0x30: {  	s3 =	sld [smem:$0x3FAD]  }
0x31: {  	[smem:$0x3FB6] =	sst s10  }
0x32: {  	s10 =	sld [smem:$0x3FB4];
	_ =	sdelay $0x3  }
0x33: {  	p0 =	seq.s32 s10, $0x1;
	s10 =	sld [smem:$0x3FB6];
	_ =	sdelay $0x3  }
0x34: {  	[smem:$0x3FB6] =	sst s10  }
0x35: {  	s10 =	sld [smem:$0x3FB5];
	_ =	sdelay $0x3  }
0x36: {  	p1 =	seq.s32 s10, $0x1;
	s10 =	sld [smem:$0x3FB6];
	_ =	sdelay $0x3  }
0x37: {  	[smem:$0x3FB6] =	sst s10  }
0x38: {  	s10 =	sld [smem:$0x3FB7]  }
0x39: {  	_ = 	snop;
	(pc) =	sbr.ind lr, $3  }
0x3a: {  	_ = 	snop  }
0x3b: {  	_ = 	snop  }
0x3c: {  	p2 =	seq.s32 s10, $0x1;
	s10 =	sld [smem:$0x3FB6]  }
0x3d: {  	_ =	shalt  }
0x3e: {  	_ =	shalt  }
0x3f: {  	_ =	shalt  }
0x40: {  	_ =	shalt  }
0x41: {  	_ =	shalt  }
0x42: {  	_ =	shalt  }
0x43: {  	_ =	shalt  }
0x44: {  	_ =	shalt  }
0x45: {  	_ =	shalt  }
0x46: {  	_ =	shalt  }
0x47: {  	_ =	shalt  }
0x48: {  	_ =	shalt  }
0x49: {  	_ =	shalt  }
0x4a: {  	_ =	shalt  }
0x4b: {  	_ =	shalt  }
0x4c: {  	_ =	shalt  }
0x4d: {  	_ =	shalt  }
0x4e: {  	_ =	shalt  }
0x4f: {  	_ =	shalt  }
0x50: {  	_ =	shalt  }
0x51: {  	_ =	shalt  }
0x52: {  	_ =	shalt  }
0x53: {  	_ =	shalt  }
0x54: {  	_ =	shalt  }
0x55: {  	_ =	shalt  }
0x56: {  	_ =	shalt  }
0x57: {  	_ =	shalt  }
0x58: {  	_ =	shalt  }
0x59: {  	_ =	shalt  }
0x5a: {  	_ =	shalt  }
0x5b: {  	_ =	shalt  }
0x5c: {  	_ =	shalt  }
0x5d: {  	_ =	shalt  }
0x5e: {  	_ =	shalt  }
0x5f: {  	_ =	shalt  }
0x60: {  	_ =	shalt  }
0x61: {  	_ =	shalt  }
0x62: {  	_ =	shalt  }
0x63: {  	_ =	shalt  }
0x64: {  	_ =	shalt  }
0x65: {  	_ =	shalt  }
0x66: {  	_ =	shalt  }
0x67: {  	_ =	shalt  }
0x68: {  	_ =	shalt  }
0x69: {  	_ =	shalt  }
0x6a: {  	_ =	shalt  }
0x6b: {  	_ =	shalt  }
0x6c: {  	_ =	shalt  }
0x6d: {  	_ =	shalt  }
0x6e: {  	_ =	shalt  }
0x6f: {  	_ =	shalt  }
0x70: {  	_ =	shalt  }
0x71: {  	_ =	shalt  }
0x72: {  	_ =	shalt  }
0x73: {  	_ =	shalt  }
0x74: {  	_ =	shalt  }
0x75: {  	_ =	shalt  }
0x76: {  	_ =	shalt  }
0x77: {  	_ =	shalt  }
0x78: {  	_ =	shalt  }
0x79: {  	_ =	shalt  }
0x7a: {  	_ =	shalt  }
0x7b: {  	_ =	shalt  }
0x7c: {  	_ =	shalt  }
0x7d: {  	_ =	shalt  }
0x7e: {  	_ =	shalt  }
0x7f: {  	_ =	shalt  }
0x80: {  	_ =	shalt  }
0x81: {  	_ =	shalt  }
0x82: {  	_ =	shalt  }
0x83: {  	_ =	shalt  }
0x84: {  	_ =	shalt  }
0x85: {  	_ =	shalt  }
0x86: {  	_ =	shalt  }
0x87: {  	_ =	shalt  }
.Lfunc_end0:
.L_simem_size_0:
called_computation_lowered:
.L_overlay_start_0:
0x88: {  	s2 =	sld [smem:$0x3FD9]  }
0x89: {  	s3 =	sld [smem:$0x3FFE];
	_ =	sdelay $0x1  }
0x8a: {  	s1 =	srdreg.scid  }
0x8b: {  	s0 =	sand.u32 $0x1, s1  }
0x8c: {  	s17 =	sshll.u32 s0, $0xA;
	s2 =	sadd.s32 s3, s2  }
0x8d: {  	s2 =	sadd.s32 s2, s17  }
0x8e: {  	[smem:$0x3FC2] =	sst s2  }
0x8f: {  	_ = 	snop  }
0x90: {  	s2 =	sld [smem:$0x3FD0];
	(tm) =	ssettm $0x1  }
0x91: {  	s18 =	sld [smem:$0x3FFB];
	_ =	sdelay $0x3  }
0x92: {  	_ =	strace s18  }
0x93: {  	s3 =	sld [smem:$0x3FFC];
	_ =	sdelay $0x3  }
0x94: {  	_ =	strace s3  }
0x95: {  	s3 =	sld [smem:$0x3FFD];
	_ =	sdelay $0x3  }
0x96: {  	_ =	strace s3  }
0x97: {  	_ =	strace $0x8FFFFFFF  }
0x98: {  	s19 =	sld [smem:$0x3FDB];
	_ =	sdelay $0x1  }
0x99: {  	s4 =	simm.s32 $_scs_section_size  }
0x9a: {  	s5 =	simm.s32 $_size__tile_overlayer_lowered;
	s6 =	simm.s32 $_tile_overlayer_lowered  }
0x9b: {  	s22 =	simm.s32 $0x1BFF;
	s21 =	sshll.u32 s6, $0x1;
	s3 =	sadd.s32 s4, s19  }
0x9c: {  	s7 =	simm.s32 $0x0;
	s20 =	sshll.u32 s5, $0x1;
	s5 =	sadd.s32 s21, s3  }
0x9d: {  	[timem:s7], [sflag:s22] =	dma.local [hbm:s5], s20  }
0x9e: {  	_ =	swait.ge [sflag:s22], s20  }
0x9f: {  	s4 =	ssub.s32 $0x0, s20;
	[sflag:s22] =	ssyncset.done $0x0  }
0xa0: {  	[sflag:s22] =	ssyncadd.s32 s4;
	_ =	sdelay $0x1  }
0xa1: {  	s23 =	simm.s32 $0x1B8B  }
0xa2: {  	_ =	swait.ge [sflag:s23], $0x1  }
0xa3: {  	[sflag:s23] =	ssyncset.done $0x0  }
0xa4: {  	s25 =	simm.s32 $0x1B8E;
	s24 =	sld [smem:$0x3FFE];
	[sflag:s23] =	ssyncadd.s32 $0xFFFFFFFF  }
0xa5: {  	s26 =	simm.s32 $execute0_lowered;
	[smem:$0x3FD2] =	sst s25  }
0xa6: {  	s5 =	sshll.u32 s26, $0x1;
	_ =	strace $0x80000046;
	[dreg:$0x1] =	wrdreg $0xFFFFFFFF  }
0xa7: {  	s28 =	simm.s32 $_size_execute0_lowered;
	s3 =	sadd.s32 s3, s5;
	[dreg:$0x0] =	wrdreg $0x0  }
0xa8: {  	s5 =	sshll.u32 s28, $0x1;
	[dreg:$0x2] =	wrdreg s3  }
0xa9: {  	[dreg:$0x3] =	wrdreg s5  }
0xaa: {  	[dreg:$0x4] =	wrdreg $0xC0  }
0xab: {  	_ =	task [dreg:s7], $0x5FFFF  }
0xac: {  	[dreg:$0x1] =	wrdreg $0xFFFFFFFF  }
0xad: {  	[dreg:$0x0] =	wrdreg $0x60  }
0xae: {  	[dreg:$0x2] =	wrdreg s2  }
0xaf: {  	[dreg:$0x3] =	wrdreg s24  }
0xb0: {  	[dreg:$0x4] =	wrdreg $0x64000  }
0xb1: {  	[dreg:$0x5] =	wrdreg $0x9  }
0xb2: {  	_ =	task.clear_ibuf [dreg:s7], $0x6FFFF;
	_ =	strace $0x90000046  }
0xb3: {  	s29 =	simm.s32 $0x9;
	_ =	strace $0x80000048  }
0xb4: {  	_ =	swait.ge [sflag:s29], $0x1  }
0xb5: {  	[sflag:s29] =	ssyncadd.s32 $0xFFFFFFFF  }
0xb6: {  	_ =	strace $0x90000048  }
0xb7: {  	_ =	sfence  }
0xb8: {  	s30 =	sld [smem:$0x0];
	_ =	sdelay $0x2  }
0xb9: {  	s31 =	sshll.u32 s1, $0xD;
	s1 =	sshrl.u32 s1, $0x2  }
0xba: {  	s3 =	sand.u32 $0x4000, s31;
	s1 =	sadd.s32 s1, s30  }
0xbb: {  	s0 =	sor.u32 s3, s0;
	s1 =	sshll.u32 s1, $0x11  }
0xbc: {  	s0 =	sor.u32 s1, s0  }
0xbd: {  	s0 =	sadd.s32 $0x8F2B, s0  }
0xbe: {  	[sflag:s0] =	ssyncadd.remote.s32 $0x1  }
0xbf: {  	_ =	sfence.sel $0xFFFF  }
0xc0: {  	[dreg:$0x0] =	wrdreg $0xFFFFFFFF;
	(pc) =	sbr.abs _section_cstart, $3  }
0xc1: {  	[dreg:$0x1] =	wrdreg $0xFFFFFFFF  }
0xc2: {  	_ =	task.clear_ibuf [dreg:s7], $0x2FFFF;
	_ =	strace $0x9FFFFFFF  }
0xc3: {  	(tm) =	ssettm $0x7FFFFFFF  }
tec
execute0_lowered:
.L_overlay_start_1:
0x0: {  	(tag) =	ssettag $0x1  }
0x1: {  	s1 =	rddreg [dreg:$0x0]  }
0x2: {  	s0 =	rddreg [dreg:$0x1]  }
0x3: {  	s2 =	rddreg [dreg:$0x2]  }
0x4: {  	s3 =	srdreg.scid;
	s6 =	simm.s32 $0x0;
	s4 =	stileid.u32  }
0x5: {  	s20 =	simm.s32 $0x6000;
	s21 =	simm.s32 $0x4;
	s22 =	simm.s32 $0x3  }
0x6: {  	s23 =	simm.s32 $0x80;
	s24 =	simm.s32 $0x5000;
	s9 =	smul.u32 $0x2800, s4  }
0x7: {  	s28 =	simm.s32 $0x1;
	s3 =	sand.u32 $0x1, s3;
	s8 =	smul.u32 $0xA000, s4  }
0x8: {  	s29 =	simm.s32 $0x2;
	[smem:$0x7FF] =	sst s6;
	s5 =	smul.u32 $0x28000, s3  }
0x9: {  	s26 =	sshll.u32 s3, $0x4;
	_ =	strace $0x80000047;
	s3 =	ssub.s32 $0x2, s3  }
0xa: {  	s6 =	sor.u32 s4, s26;
	s7 =	sshrl.u32 s3, $0x1;
	s30 =	sshrl.u32 s8, $0x2  }
0xb: {  	s31 =	sadd.s32 s9, s2;
	s26 =	simm.s32 $0x5800;
	s6 =	smul.u32 $0x500, s6  }
0xc: {  	s5 =	sadd.s32 s9, s5;
	s3 =	ssub.s32 s3, s7;
	s7 =	sadd.s32 s30, s2  }
0xd: {  	s25 =	sshrl.u32 s31, $0x3;
	s5 =	sshrl.u32 s5, $0x3;
	s9 =	smax.u32 s3, $0x1  }
0xe: {  	s10 =	sadd.s32 $0x400, s7;
	s11 =	sadd.s32 $0x800, s7;
	s12 =	sadd.s32 $0xC00, s7  }
0xf: {  	s13 =	sadd.s32 $0x1000, s7;
	s14 =	sadd.s32 $0x1400, s7;
	s15 =	sadd.s32 $0x1800, s7  }
0x10: {  	s16 =	sadd.s32 $0x1C00, s7;
	s17 =	sadd.s32 $0x2000, s7;
	s18 =	sadd.s32 $0x2400, s7  }
0x11: {  	s3 =	simm.s32 $0x0;
	s6 =	sadd.s32 s6, s0;
	s0 =	sadd.s32 s5, s0  }
0x12: {  	v0 =	vimm.f32 $0.0e+00;
	s5 =	sadd.s32 $0xA800, s6;
	s6 =	sadd.s32 $0x800, s6;
	s8 =	sadd.s32 $0x14800, s0  }
.LBB2_1:
0x13: {  	s0 =	simm.s32 $0x0  }
0x14: {  	[tilespmem:s0], [sflag:$0x3] =	stream.linear.gather [hbm4b:s5+s0], $0x2800, $0x38;
	[tilespmem:$0x8C00] =	vst v63  }
0x15: {  	s4 =	simm.s32 $0x2800;
	s19 =	simm.s32 $0x40;
	s30 =	simm.s32 $0x0  }
0x16: {  	[tilespmem:s4], [sflag:$0x3] =	stream.linear.gather [hbm4b:s6+s0], $0x2800, $0x38;
	[tilespmem:$0x8C00] =	vst v63  }
.LBB2_2:
0x17: {  	p0 =	sne.s32 s19, $0xFC0;
	[tilespmem:s30+$0x6000] =	vst v0;
	s30 =	smov.u32 s19;
	s19 =	sadd.s32 $0x40, s19  }
.Ltmp0:
0x18: {  	(pc) =	sbr.rel @p0 .LBB2_2-.Ltmp0, $2  }
0x19: {  	_ =	sdelay $0x2  }
0x1a: {  	s30 =	sshra.s32 s30, $0x2  }
0x1b: {  	[tilespmem:s30+$0x6000] =	vst v0  }
0x1c: {  	[spmem:s7] =	stream.linear.scatter [tilespmem:s20], [sflag:$0x4], $0x400, $0x38;
	[tilespmem:$0x8C00] =	vst v63  }
0x1d: {  	_ =	swait.ge [sflag:s21], $0x400  }
0x1e: {  	[sflag:s21] =	ssyncset.done $0x0  }
0x1f: {  	[sflag:s21] =	ssyncadd.s32 $0xFFFFFC00  }
0x20: {  	[spmem:s10] =	stream.linear.scatter [tilespmem:s20], [sflag:$0x4], $0x400, $0x38;
	[tilespmem:$0x8C00] =	vst v63  }
0x21: {  	_ =	swait.ge [sflag:s21], $0x400  }
0x22: {  	[sflag:s21] =	ssyncset.done $0x0  }
0x23: {  	[sflag:s21] =	ssyncadd.s32 $0xFFFFFC00  }
0x24: {  	[spmem:s11] =	stream.linear.scatter [tilespmem:s20], [sflag:$0x4], $0x400, $0x38;
	[tilespmem:$0x8C00] =	vst v63  }
0x25: {  	_ =	swait.ge [sflag:s21], $0x400  }
0x26: {  	[sflag:s21] =	ssyncset.done $0x0  }
0x27: {  	[sflag:s21] =	ssyncadd.s32 $0xFFFFFC00  }
0x28: {  	[spmem:s12] =	stream.linear.scatter [tilespmem:s20], [sflag:$0x4], $0x400, $0x38;
	[tilespmem:$0x8C00] =	vst v63  }
0x29: {  	_ =	swait.ge [sflag:s21], $0x400  }
0x2a: {  	[sflag:s21] =	ssyncset.done $0x0  }
0x2b: {  	[sflag:s21] =	ssyncadd.s32 $0xFFFFFC00  }
0x2c: {  	[spmem:s13] =	stream.linear.scatter [tilespmem:s20], [sflag:$0x4], $0x400, $0x38;
	[tilespmem:$0x8C00] =	vst v63  }
0x2d: {  	_ =	swait.ge [sflag:s21], $0x400  }
0x2e: {  	[sflag:s21] =	ssyncset.done $0x0  }
0x2f: {  	[sflag:s21] =	ssyncadd.s32 $0xFFFFFC00  }
0x30: {  	[spmem:s14] =	stream.linear.scatter [tilespmem:s20], [sflag:$0x4], $0x400, $0x38;
	[tilespmem:$0x8C00] =	vst v63  }
0x31: {  	_ =	swait.ge [sflag:s21], $0x400  }
0x32: {  	[sflag:s21] =	ssyncset.done $0x0  }
0x33: {  	[sflag:s21] =	ssyncadd.s32 $0xFFFFFC00  }
0x34: {  	[spmem:s15] =	stream.linear.scatter [tilespmem:s20], [sflag:$0x4], $0x400, $0x38;
	[tilespmem:$0x8C00] =	vst v63  }
0x35: {  	_ =	swait.ge [sflag:s21], $0x400  }
0x36: {  	[sflag:s21] =	ssyncset.done $0x0  }
0x37: {  	[sflag:s21] =	ssyncadd.s32 $0xFFFFFC00  }
0x38: {  	[spmem:s16] =	stream.linear.scatter [tilespmem:s20], [sflag:$0x4], $0x400, $0x38;
	[tilespmem:$0x8C00] =	vst v63  }
0x39: {  	_ =	swait.ge [sflag:s21], $0x400  }
0x3a: {  	[sflag:s21] =	ssyncset.done $0x0  }
0x3b: {  	[sflag:s21] =	ssyncadd.s32 $0xFFFFFC00  }
0x3c: {  	[spmem:s17] =	stream.linear.scatter [tilespmem:s20], [sflag:$0x4], $0x400, $0x38;
	[tilespmem:$0x8C00] =	vst v63  }
0x3d: {  	_ =	swait.ge [sflag:s21], $0x400  }
0x3e: {  	[sflag:s21] =	ssyncset.done $0x0  }
0x3f: {  	[sflag:s21] =	ssyncadd.s32 $0xFFFFFC00  }
0x40: {  	[spmem:s18] =	stream.linear.scatter [tilespmem:s20], [sflag:$0x4], $0x400, $0x38;
	[tilespmem:$0x8C00] =	vst v63  }
0x41: {  	_ =	swait.ge [sflag:s21], $0x400  }
0x42: {  	[sflag:s21] =	ssyncset.done $0x0  }
0x43: {  	[sflag:s21] =	ssyncadd.s32 $0xFFFFFC00  }
0x44: {  	_ =	swait.ge [sflag:s22], $0x2800  }
0x45: {  	[sflag:s22] =	ssyncset.done $0x0  }
0x46: {  	[sflag:s22] =	ssyncadd.s32 $0xFFFFD800  }
0x47: {  	_ =	swait.ge [sflag:s22], $0x2800  }
0x48: {  	[sflag:s22] =	ssyncset.done $0x0  }
0x49: {  	[sflag:s22] =	ssyncadd.s32 $0xFFFFD800  }
0x4a: {  	s19 =	simm.s32 $0x0;
	[bflag:$0x0] =	sbarrier.arrive $0xFFFF  }
0x4b: {  	[tilespmem:s24], [sflag:$0x1] =	stream.indirect.gather [hbm4b:s1+s23], $0x10, s19, s23, $0xb8;
	[tilespmem:$0x8C00] =	vst v63  }
0x4c: {  	s31 =	simm.s32 $0x80  }
0x4d: {  	[tilespmem:s26], [sflag:$0x2] =	stream.indirect.gather [hbm4b:s1+s23], $0x10, s31, s23, $0xb8;
	[tilespmem:$0x8C00] =	vst v63  }
0x4e: {  	_ =	swait.ge [sflag:s28], $0x800  }
0x4f: {  	[sflag:s28] =	ssyncset.done $0x0  }
0x50: {  	s0 =	simm.s32 $0x2800;
	[sflag:s28] =	ssyncadd.s32 $0xFFFFF800  }
0x51: {  	[spmem:s2] =	stream.indirect.scatter.add.f32 [tilespmem:s24], [sflag:$0x4], $0x10, s0, s23, $0xb8;
	[tilespmem:$0x8C00] =	vst v63  }
0x52: {  	_ =	swait.ge [sflag:s21], $0x800  }
0x53: {  	[sflag:s21] =	ssyncset.done $0x0  }
0x54: {  	s4 =	simm.s32 $0x100;
	[sflag:s21] =	ssyncadd.s32 $0xFFFFF800  }
0x55: {  	[tilespmem:s24], [sflag:$0x1] =	stream.indirect.gather [hbm4b:s1+s23], $0x10, s4, s23, $0xb8;
	[tilespmem:$0x8C00] =	vst v63  }
0x56: {  	_ =	swait.ge [sflag:s29], $0x800  }
0x57: {  	[sflag:s29] =	ssyncset.done $0x0  }
0x58: {  	s31 =	simm.s32 $0x2880;
	[sflag:s29] =	ssyncadd.s32 $0xFFFFF800  }
0x59: {  	[spmem:s2] =	stream.indirect.scatter.add.f32 [tilespmem:s26], [sflag:$0x4], $0x10, s31, s23, $0xb8;
	[tilespmem:$0x8C00] =	vst v63  }
0x5a: {  	_ =	swait.ge [sflag:s21], $0x800  }
0x5b: {  	s30 =	simm.s32 $0x800;
	s19 =	simm.s32 $0x100;
	[sflag:s21] =	ssyncset.done $0x0  }
.LBB2_4:
0x5c: {  	s31 =	sadd.s32 $0x80, s19  }
0x5d: {  	[sflag:s21] =	ssyncadd.s32 $0xFFFFF800;
	s0 =	smov.u32 s30;
	s4 =	sadd.s32 $0x400, s30  }
0x5e: {  	[tilespmem:s26], [sflag:$0x2] =	stream.indirect.gather [hbm4b:s1+s23], $0x10, s31, s23, $0xb8;
	[tilespmem:$0x8C00] =	vst v63  }
0x5f: {  	p0 =	sne.s32 s30, $0x9800;
	_ =	swait.ge [sflag:s28], $0x800  }
0x60: {  	[sflag:s28] =	ssyncset.done $0x0  }
0x61: {  	s30 =	sadd.s32 $0x2800, s19;
	[sflag:s28] =	ssyncadd.s32 $0xFFFFF800  }
0x62: {  	[spmem:s2] =	stream.indirect.scatter.add.f32 [tilespmem:s24], [sflag:$0x4], $0x10, s30, s23, $0xb8;
	[tilespmem:$0x8C00] =	vst v63  }
0x63: {  	_ =	swait.ge [sflag:s21], $0x800  }
0x64: {  	[sflag:s21] =	ssyncset.done $0x0  }
0x65: {  	s30 =	sadd.s32 $0x100, s19;
	[sflag:s21] =	ssyncadd.s32 $0xFFFFF800  }
0x66: {  	[tilespmem:s24], [sflag:$0x1] =	stream.indirect.gather [hbm4b:s1+s23], $0x10, s30, s23, $0xb8;
	[tilespmem:$0x8C00] =	vst v63  }
0x67: {  	_ =	swait.ge [sflag:s29], $0x800  }
.Ltmp1:
0x68: {  	[sflag:s29] =	ssyncset.done $0x0;
	(pc) =	sbr.rel @p0 .LBB2_4-.Ltmp1, $4  }
0x69: {  	s19 =	sadd.s32 $0x2880, s19;
	[sflag:s29] =	ssyncadd.s32 $0xFFFFF800  }
0x6a: {  	[spmem:s2] =	stream.indirect.scatter.add.f32 [tilespmem:s26], [sflag:$0x4], $0x10, s19, s23, $0xb8;
	[tilespmem:$0x8C00] =	vst v63  }
0x6b: {  	_ =	swait.ge [sflag:s21], $0x800  }
0x6c: {  	s30 =	smov.u32 s4;
	s19 =	sshra.s32 s0, $0x2;
	[sflag:s21] =	ssyncset.done $0x0  }
0x6d: {  	s0 =	sadd.s32 $0x80, s19;
	[sflag:s21] =	ssyncadd.s32 $0xFFFFF800  }
0x6e: {  	[tilespmem:s26], [sflag:$0x2] =	stream.indirect.gather [hbm4b:s1+s23], $0x10, s0, s23, $0xb8;
	[tilespmem:$0x8C00] =	vst v63  }
0x6f: {  	_ =	swait.ge [sflag:s28], $0x800  }
0x70: {  	[sflag:s28] =	ssyncset.done $0x0  }
0x71: {  	s4 =	sadd.s32 $0x2800, s19;
	[sflag:s28] =	ssyncadd.s32 $0xFFFFF800  }
0x72: {  	[spmem:s2] =	stream.indirect.scatter.add.f32 [tilespmem:s24], [sflag:$0x4], $0x10, s4, s23, $0xb8;
	[tilespmem:$0x8C00] =	vst v63  }
0x73: {  	_ =	swait.ge [sflag:s21], $0x800  }
0x74: {  	[sflag:s21] =	ssyncset.done $0x0  }
0x75: {  	s30 =	sadd.s32 $0x100, s19;
	[sflag:s21] =	ssyncadd.s32 $0xFFFFF800  }
0x76: {  	[tilespmem:s24], [sflag:$0x1] =	stream.indirect.gather [hbm4b:s1+s23], $0x10, s30, s23, $0xb8;
	[tilespmem:$0x8C00] =	vst v63  }
0x77: {  	_ =	swait.ge [sflag:s29], $0x800  }
0x78: {  	[sflag:s29] =	ssyncset.done $0x0  }
0x79: {  	s31 =	sadd.s32 $0x2880, s19;
	[sflag:s29] =	ssyncadd.s32 $0xFFFFF800  }
0x7a: {  	[spmem:s2] =	stream.indirect.scatter.add.f32 [tilespmem:s26], [sflag:$0x4], $0x10, s31, s23, $0xb8;
	[tilespmem:$0x8C00] =	vst v63  }
0x7b: {  	_ =	swait.ge [sflag:s21], $0x800  }
0x7c: {  	[sflag:s21] =	ssyncset.done $0x0  }
0x7d: {  	s4 =	simm.s32 $0x2780;
	[sflag:s21] =	ssyncadd.s32 $0xFFFFF800  }
0x7e: {  	[tilespmem:s26], [sflag:$0x2] =	stream.indirect.gather [hbm4b:s1+s23], $0x10, s4, s23, $0xb8;
	[tilespmem:$0x8C00] =	vst v63  }
0x7f: {  	_ =	swait.ge [sflag:s28], $0x800  }
0x80: {  	[sflag:s28] =	ssyncset.done $0x0  }
0x81: {  	s19 =	simm.s32 $0x4F00;
	[sflag:s28] =	ssyncadd.s32 $0xFFFFF800  }
0x82: {  	[spmem:s2] =	stream.indirect.scatter.add.f32 [tilespmem:s24], [sflag:$0x4], $0x10, s19, s23, $0xb8;
	[tilespmem:$0x8C00] =	vst v63  }
0x83: {  	_ =	swait.ge [sflag:s21], $0x800  }
0x84: {  	[sflag:s21] =	ssyncset.done $0x0  }
0x85: {  	[sflag:s21] =	ssyncadd.s32 $0xFFFFF800  }
0x86: {  	_ =	swait.ge [sflag:s29], $0x800  }
0x87: {  	[sflag:s29] =	ssyncset.done $0x0  }
0x88: {  	s30 =	simm.s32 $0x4F80;
	[sflag:s29] =	ssyncadd.s32 $0xFFFFF800  }
0x89: {  	[spmem:s2] =	stream.indirect.scatter.add.f32 [tilespmem:s26], [sflag:$0x4], $0x10, s30, s23, $0xb8;
	[tilespmem:$0x8C00] =	vst v63  }
0x8a: {  	_ =	swait.ge [sflag:s21], $0x800  }
0x8b: {  	s3 =	sadd.s32 $0x1, s3;
	s31 =	stileid.u32;
	[sflag:s21] =	ssyncset.done $0x0  }
0x8c: {  	p0 =	sne.s32 s3, s9;
	s0 =	sshll.u32 s31, $0x6;
	[sflag:s21] =	ssyncadd.s32 $0xFFFFF800  }
.Ltmp2:
0x8d: {  	s0 =	sor.u32 $0x1C04, s0;
	[bflag:$0x0] =	sbarrier.arrive $0xFFFF;
	(pc) =	sbr.rel @p0 .LBB2_1-.Ltmp2, $4  }
0x8e: {  	[hbm:s8], [sflag:s0] =	dma.local [spmem:s25], $0x500  }
0x8f: {  	_ =	swait.ge [sflag:s21], $0x500  }
0x90: {  	[sflag:s21] =	ssyncset.done $0x0  }
0x91: {  	[sflag:s21] =	ssyncadd.s32 $0xFFFFFB00  }
0x92: {  	_ =	sfence.sel $0x180000  }
0x93: {  	[bflag:$0x0] =	sbarrier.arrive $0xFFFF  }
0x94: {  	_ =	strace $0x90000047  }
0x95: {  	s0 =	stileid.u32;
	[bflag:$0x2] =	sbarrier.arrive $0xFFFF  }
0x96: {  	p0 =	sne.s32 s0, $0x0;
	s0 =	rddreg [dreg:$0x3]  }
0x97: {  	s0 =	sadd.s32 @!p0 $0x100000, s0  }
0x98: {  	[sflag:s0] =	ssyncadd.tile.s32 @!p0 $0x1;
	_ =	shalt  }
.Lfunc_end2:
_tile_overlayer_lowered:
.L_overlay_start_2:
0x99: {  	(tag) =	ssettag $0x2  }
0x9a: {  	s0 =	rddreg [dreg:$0x0];
	s2 =	stileid.u32  }
0x9b: {  	s1 =	rddreg [dreg:$0x1];
	p0 =	sne.s32 s2, $0x0  }
0x9c: {  	s3 =	rddreg [dreg:$0x2];
	[bflag:$0x3] =	sbarrier.arrive $0xFFFF;
	s2 =	simm.s32 @!p0 $0x1C04  }
0x9d: {  	[timem:s3], [sflag:s2] =	dma.local @!p0 [hbm:s0], s1  }
0x9e: {  	s0 =	simm.s32 @!p0 $0x4  }
0x9f: {  	_ =	swait.ge @!p0 [sflag:s0], s1  }
0xa0: {  	s1 =	ssub.s32 @!p0 $0x0, s1;
	[sflag:s0] =	ssyncset.done @!p0 $0x0  }
0xa1: {  	[sflag:s0] =	ssyncadd.s32 @!p0 s1  }
0xa2: {  	[bflag:$0x3] =	sbarrier.arrive $0xFFFF  }
0xa3: {  	_ =	shalt  }

</sc_bundles>
